<compile_context>
chip_gen: v7x
topology: tpu7x:2x2x1
jax: 0.10.2.dev20260603
libtpu: 0.0.44.dev20260713+nightly
codegen_flags: <defaults>
</compile_context>

<pallas_src>
import functools

import jax
import jax.numpy as jnp
from jax import lax
from jax.experimental import pallas as pl
from jax.experimental.pallas import tpu as pltpu
from jax.experimental.pallas import tpu_sc as plsc

B_ = 16
C_ = 6
L_ = 4096
UPS_ = 5
N_ = B_ * L_


def _decode_body(samp_ref, idx_ref):
    best = samp_ref[:, 0, :]
    bidx = jnp.zeros((B_, L_), jnp.int32)
    for c in range(1, C_):
        val = samp_ref[:, c, :]
        m = val > best
        best = jnp.where(m, val, best)
        bidx = jnp.where(m, jnp.int32(c), bidx)

    prev = jnp.concatenate(
        [jnp.zeros((B_, 1), jnp.int32), bidx[:, : L_ - 1]], axis=1)
    upd = (bidx != 0) & (bidx != prev)
    n = jnp.where(upd, 1, 0).astype(jnp.int32)
    v = jnp.where(upd, bidx - 1, 0).astype(jnp.int32)

    d = 1
    while d < L_:
        z = jnp.zeros((B_, d), jnp.int32)
        na = jnp.concatenate([z, n[:, : L_ - d]], axis=1)
        va = jnp.concatenate([z, v[:, : L_ - d]], axis=1)
        v = ((va << (n + n + n)) | v) & 0x1FF
        n = jnp.minimum(na + n, 3)
        d *= 2

    code = 25 * (v >> 6) + 5 * ((v >> 3) & 7) + (v & 7)
    idx_ref[...] = jnp.where(n < 3, 0, code + 1)


def _lane_iota():
    return lax.iota(jnp.int32, 16)


@functools.cache
def _sc_meshinfo():
    info = plsc.get_sparse_core_info()
    nc, ns = info.num_cores, info.num_subcores
    mesh = plsc.VectorSubcoreMesh(core_axis_name="c", subcore_axis_name="s")
    return nc, ns, mesh


@functools.cache
def _make_sc_gather():
    nc, ns, mesh = _sc_meshinfo()
    nw = nc * ns
    chunk = N_ // nw

    seg = L_ // chunk

    @functools.partial(
        pl.kernel,
        mesh=mesh,
        out_type=(
            jax.ShapeDtypeStruct((N_,), jnp.float32),
            jax.ShapeDtypeStruct((nw, 16), jnp.float32),
        ),
        scratch_types=[
            pltpu.VMEM((256,), jnp.float32),
            pltpu.VMEM((chunk,), jnp.int32),
            pltpu.VMEM((chunk,), jnp.float32),
            pltpu.VMEM((16,), jnp.float32),
        ],
        compiler_params=pltpu.CompilerParams(needs_layout_passes=False),
    )
    def gather_k(idx_hbm, tab_hbm, out_hbm, part_hbm, tab_v, idx_v, rc_v, p_v):
        wid = lax.axis_index("s") * nc + lax.axis_index("c")
        base = wid * chunk
        pltpu.sync_copy(tab_hbm, tab_v)
        pltpu.sync_copy(
            idx_hbm.at[wid // seg, pl.ds((wid % seg) * chunk, chunk)], idx_v)

        zero = jnp.zeros((16,), jnp.float32)

        def body(i, carry):
            s, q = carry
            off = i * 16
            ids = idx_v[pl.ds(off, 16)]
            r = plsc.load_gather(tab_v, [ids])
            rc_v[pl.ds(off, 16)] = r
            return s + r, q + r * r

        s, q = lax.fori_loop(0, chunk // 16, body, (zero, zero), unroll=8)
        lane = _lane_iota()
        sv = jnp.broadcast_to(jnp.sum(s), (16,))
        qv = jnp.broadcast_to(jnp.sum(q), (16,))
        p_v[...] = jnp.where(lane == 0, sv, jnp.where(lane == 1, qv, 0.0))
        pltpu.sync_copy(rc_v, out_hbm.at[pl.ds(base, chunk)])
        pltpu.sync_copy(p_v, part_hbm.at[wid])

    return gather_k


@functools.cache
def _make_sc_bn_upsample():
    nc, ns, mesh = _sc_meshinfo()
    nw = nc * ns
    chunk = N_ // nw
    ochunk = chunk * UPS_

    seg = L_ // chunk

    @functools.partial(
        pl.kernel,
        mesh=mesh,
        out_type=jax.ShapeDtypeStruct((N_ * UPS_,), jnp.float32),
        scratch_types=[
            pltpu.VMEM((nw, 16), jnp.float32),
            pltpu.VMEM((16,), jnp.float32),
            pltpu.VMEM((chunk,), jnp.float32),
            pltpu.VMEM((ochunk,), jnp.float32),
        ],
        compiler_params=pltpu.CompilerParams(needs_layout_passes=False),
    )
    def bn_k(rc_hbm, part_hbm, gb_hbm, out_hbm, part_v, gb_v, rc_v, out_v):
        wid = lax.axis_index("s") * nc + lax.axis_index("c")
        base = wid * chunk
        pltpu.sync_copy(part_hbm, part_v)
        pltpu.sync_copy(gb_hbm, gb_v)
        pltpu.sync_copy(rc_hbm.at[pl.ds(base, chunk)], rc_v)

        acc = jnp.zeros((16,), jnp.float32)
        for i in range(nw):
            acc = acc + part_v[i, :]
        inv_n = 1.0 / N_
        mean = jnp.sum(jnp.where(_lane_iota() == 0, acc, 0.0)) * inv_n
        sumsq = jnp.sum(jnp.where(_lane_iota() == 1, acc, 0.0))
        var = sumsq * inv_n - mean * mean
        x = jnp.broadcast_to(var + 1e-5, (16,))
        y0 = plsc.bitcast(0x5F3759DF - (plsc.bitcast(x, jnp.int32) >> 1),
                          jnp.float32)
        for _ in range(3):
            y0 = y0 * (1.5 - 0.5 * x * y0 * y0)
        gb = gb_v[...]
        gamma = jnp.broadcast_to(jnp.sum(jnp.where(_lane_iota() == 0, gb, 0.0)), (16,))
        beta = jnp.broadcast_to(jnp.sum(jnp.where(_lane_iota() == 1, gb, 0.0)), (16,))
        a = gamma * y0
        b = beta - a * mean
        lane = _lane_iota()

        def body(i, carry):
            off = i * 16
            y = a * rc_v[pl.ds(off, 16)] + b
            oid = (lane + off) * UPS_
            for j in range(UPS_):
                plsc.store_scatter(out_v, [oid + j], y)
            return carry

        lax.fori_loop(0, chunk // 16, body, 0, unroll=4)
        pltpu.sync_copy(out_v, out_hbm.at[pl.ds(wid * ochunk, ochunk)])

    return bn_k


@jax.jit
def kernel(sampling, emb_table, bn_gamma, bn_beta):
    idx = pl.pallas_call(
        _decode_body,
        out_shape=jax.ShapeDtypeStruct((B_, L_), jnp.int32),
        compiler_params=pltpu.CompilerParams(allow_input_fusion=[True]),
    )(sampling)

    rc, part = _make_sc_gather()(idx, emb_table[:, 0])

    gb = jnp.concatenate(
        [bn_gamma, bn_beta, jnp.zeros((14,), jnp.float32)])
    out = _make_sc_bn_upsample()(rc, part, gb)
    return out.reshape(B_, UPS_ * L_, 1)

# --- scband reference (transcript-rebuilt; emitter-appended) ---
"""Pipeline reference for scband-mm-85375359910559 (READ-ONLY COPY).

The authoritative reference and input builder live on the scoring server;
editing this copy changes nothing except your own understanding.
"""

import jax, jax.numpy as jnp
import numpy as np

B, C, L = 16, 6, 4096
K = 3
N_BASE = 5
N_EMBD = 256
EMB_DIM = 1
UPS = 5
WEIGHTS = jnp.array([25, 5, 1], dtype=jnp.int32)


def _decode_seq(seq):
    # Faithful translation of MM._kmer_decode for one sequence.
    # carry: (last-K base digits, current kmer length, previous base)
    def step(carry, base):
        kmer, length, pre = carry
        upd = (base != 0) & (base != pre)
        shifted = jnp.concatenate([kmer[1:], base[None]])
        new_kmer = jnp.where(upd, shifted, kmer)
        new_len = jnp.where(upd, jnp.minimum(length + 1, K), length)
        # kmer2idx: -1 if len(kmer) < K else sum((digit-1) * 5**pos)
        idx = jnp.where(new_len < K, -1, jnp.sum((new_kmer - 1) * WEIGHTS))
        return (new_kmer, new_len, base), idx
    init = (jnp.zeros((K,), dtype=jnp.int32), jnp.int32(0), jnp.int32(0))
    _, idxs = jax.lax.scan(step, init, seq)
    return idxs + 1  # shift by 1 (0 is padding idx)


def setup_inputs(seed: int = 0) -> dict:
    key = jax.random.key(seed)
    k1, k2 = jax.random.split(key)
    sampling = jax.random.normal(k1, (B, C, L), dtype=jnp.float32)
    # level_embedding.weight.data.uniform_(-1/n_embd, 1/n_embd)
    emb_table = jax.random.uniform(k2, (N_EMBD, EMB_DIM), minval=-1.0 / N_EMBD, maxval=1.0 / N_EMBD, dtype=jnp.float32)
    bn_gamma = jnp.ones((1,), dtype=jnp.float32)
    bn_beta = jnp.zeros((1,), dtype=jnp.float32)
    return {"sampling": sampling, "emb_table": emb_table, "bn_gamma": bn_gamma, "bn_beta": bn_beta}


def reference(sampling, emb_table, bn_gamma, bn_beta):
    # sampling is detached in torch (cpu().detach().numpy() + argmax)
    samp_idx = jnp.argmax(sampling, axis=1).astype(jnp.int32)  # [B, L], values in 0..5
    kmer_batch = jax.vmap(_decode_seq)(samp_idx)               # [B, L], values in 0..125 < 256
    # level_embedding(kmer_batch).squeeze(2).unsqueeze(1) with embedding_dim=1
    rc = jnp.take(emb_table, kmer_batch, axis=0)[..., 0]       # [B, L]
    x = rc[:, None, :]                                         # [B, 1, L]
    # nn.Upsample(scale_factor=5, mode='nearest') on 3D input
    x = jnp.repeat(x, UPS, axis=2)                             # [B, 1, 5L]
    # BatchNorm1d(1), training mode (batch stats, biased var), eps=1e-5
    mean = jnp.mean(x, axis=(0, 2), keepdims=True)
    var = jnp.var(x, axis=(0, 2), keepdims=True)
    y = bn_gamma[None, :, None] * (x - mean) / jnp.sqrt(var + 1e-5) + bn_beta[None, :, None]
    return jnp.transpose(y, (0, 2, 1))                         # [B, 5L, 1]

if __name__ == "__main__":
    import jax
    _d = setup_inputs()
    print(jax.jit(kernel)(*tuple(_d.values())))

</pallas_src>

<mosaic_0001>
#map = affine_map<(d0, d1) -> (0, 0)>
#map1 = affine_map<(d0, d1) -> (0)>
module attributes {stable_mosaic.version = 14 : i64} {
  func.func @gather_k(%arg0: i32, %arg1: i32, %arg2: memref<16x4096xi32, #tpu.memory_space<hbm>>, %arg3: memref<256xf32, #tpu.memory_space<hbm>>, %arg4: memref<65536xf32, #tpu.memory_space<hbm>>, %arg5: memref<32x16xf32, #tpu.memory_space<hbm>>, %arg6: memref<256xf32, #tpu.memory_space<vmem>>, %arg7: memref<2048xi32, #tpu.memory_space<vmem>>, %arg8: memref<2048xf32, #tpu.memory_space<vmem>>, %arg9: memref<16xf32, #tpu.memory_space<vmem>>) attributes {dimension_semantics = [#tpu.dimension_semantics<core_parallel>, #tpu.dimension_semantics<subcore_parallel>], iteration_bounds = array<i64: 2, 16>, scalar_prefetch = 0 : i64, scratch_operands = 4 : i64, tpu.core_type = #tpu.core_type<sc_vector_subcore>, window_params = [{transform_indices = #map}, {transform_indices = #map1}, {transform_indices = #map1}, {transform_indices = #map}]} {
    %mul3A = arith.constant 2 : i32
    %mul3A_0 = arith.muli %arg1, %mul3A : i32
    %add3A = arith.addi %mul3A_0, %arg0 : i32
    %mul3A_1 = arith.constant 2048 : i32
    %mul3A_2 = arith.muli %add3A, %mul3A_1 : i32
    "tpu.region"() ({
      %run_scoped3A = tpu.sem_alloc : memref<!tpu.dma_semaphore, #tpu.memory_space<semaphore_mem>>
      tpu.enqueue_dma source(%arg3 : memref<256xf32, #tpu.memory_space<hbm>>) target(%arg6 : memref<256xf32, #tpu.memory_space<vmem>>) target_semaphore(%run_scoped3A : memref<!tpu.dma_semaphore, #tpu.memory_space<semaphore_mem>>)
      tpu.wait_dma2 semaphore(%run_scoped3A : memref<!tpu.dma_semaphore, #tpu.memory_space<semaphore_mem>>) src(%arg3 : memref<256xf32, #tpu.memory_space<hbm>>) dst(%arg6 : memref<256xf32, #tpu.memory_space<vmem>>)
      tpu.yield
    }) : () -> ()
    %jit3A = arith.constant 2 : i32
    %div3A = arith.divsi %add3A, %jit3A : i32
    %sign3A = arith.constant 0 : i32
    %sign3A_3 = arith.cmpi sgt, %add3A, %sign3A : i32
    %sign3A_4 = arith.extui %sign3A_3 : i1 to i32
    %sign3A_5 = arith.constant 0 : i32
    %sign3A_6 = arith.cmpi slt, %add3A, %sign3A_5 : i32
    %sign3A_7 = arith.extui %sign3A_6 : i1 to i32
    %sign3A_8 = arith.subi %sign3A_4, %sign3A_7 : i32
    %sign3A_9 = arith.constant 0 : i32
    %sign3A_10 = arith.cmpi sgt, %jit3A, %sign3A_9 : i32
    %sign3A_11 = arith.extui %sign3A_10 : i1 to i32
    %sign3A_12 = arith.constant 0 : i32
    %sign3A_13 = arith.cmpi slt, %jit3A, %sign3A_12 : i32
    %sign3A_14 = arith.extui %sign3A_13 : i1 to i32
    %sign3A_15 = arith.subi %sign3A_11, %sign3A_14 : i32
    %ne3A = arith.cmpi ne, %sign3A_8, %sign3A_15 : i32
    %rem3A = arith.remsi %add3A, %jit3A : i32
    %ne3A_16 = arith.constant 0 : i32
    %ne3A_17 = arith.cmpi ne, %rem3A, %ne3A_16 : i32
    %and3A = arith.andi %ne3A, %ne3A_17 : i1
    %sub3A = arith.constant 1 : i32
    %sub3A_18 = arith.subi %div3A, %sub3A : i32
    %select_n3A = arith.select %and3A, %sub3A_18, %div3A : i32
    %jit3A_19 = arith.constant 2 : i32
    %eq3A = arith.constant 0 : i32
    %eq3A_20 = arith.cmpi eq, %jit3A_19, %eq3A : i32
    %jit3A_21 = arith.constant 1 : i32
    %select_n3A_22 = arith.select %eq3A_20, %jit3A_21, %jit3A_19 : i32
    %rem3A_23 = arith.remsi %add3A, %select_n3A_22 : i32
    %ne3A_24 = arith.constant 0 : i32
    %ne3A_25 = arith.cmpi ne, %rem3A_23, %ne3A_24 : i32
    %lt3A = arith.constant 0 : i32
    %lt3A_26 = arith.cmpi slt, %rem3A_23, %lt3A : i32
    %lt3A_27 = arith.constant 0 : i32
    %lt3A_28 = arith.cmpi slt, %select_n3A_22, %lt3A_27 : i32
    %ne3A_29 = arith.xori %lt3A_26, %lt3A_28 : i1
    %and3A_30 = arith.andi %ne3A_29, %ne3A_25 : i1
    %add3A_31 = arith.addi %rem3A_23, %select_n3A_22 : i32
    %select_n3A_32 = arith.select %and3A_30, %add3A_31, %rem3A_23 : i32
    %mul3A_33 = arith.constant 2048 : i32
    %mul3A_34 = arith.muli %select_n3A_32, %mul3A_33 : i32
    "tpu.region"() ({
      %run_scoped3A = tpu.sem_alloc : memref<!tpu.dma_semaphore, #tpu.memory_space<semaphore_mem>>
      %dma_start3A = tpu.memref_slice %arg2[%select_n3A, %mul3A_34] : memref<16x4096xi32, #tpu.memory_space<hbm>> -> memref<1x2048xi32, #tpu.memory_space<hbm>>
      %dma_start3A_61 = tpu.memref_squeeze %dma_start3A : memref<1x2048xi32, #tpu.memory_space<hbm>> -> memref<2048xi32, #tpu.memory_space<hbm>>
      %dma_start3A_62 = tpu.memref_slice %arg2[%select_n3A, %mul3A_34] : memref<16x4096xi32, #tpu.memory_space<hbm>> -> memref<1x2048xi32, #tpu.memory_space<hbm>>
      %dma_start3A_63 = tpu.memref_squeeze %dma_start3A_62 : memref<1x2048xi32, #tpu.memory_space<hbm>> -> memref<2048xi32, #tpu.memory_space<hbm>>
      tpu.enqueue_dma source(%dma_start3A_63 : memref<2048xi32, #tpu.memory_space<hbm>>) target(%arg7 : memref<2048xi32, #tpu.memory_space<vmem>>) target_semaphore(%run_scoped3A : memref<!tpu.dma_semaphore, #tpu.memory_space<semaphore_mem>>)
      %dma_wait3A = tpu.memref_slice %arg2[%select_n3A, %mul3A_34] : memref<16x4096xi32, #tpu.memory_space<hbm>> -> memref<1x2048xi32, #tpu.memory_space<hbm>>
      %dma_wait3A_64 = tpu.memref_squeeze %dma_wait3A : memref<1x2048xi32, #tpu.memory_space<hbm>> -> memref<2048xi32, #tpu.memory_space<hbm>>
      %dma_wait3A_65 = tpu.memref_slice %arg2[%select_n3A, %mul3A_34] : memref<16x4096xi32, #tpu.memory_space<hbm>> -> memref<1x2048xi32, #tpu.memory_space<hbm>>
      %dma_wait3A_66 = tpu.memref_squeeze %dma_wait3A_65 : memref<1x2048xi32, #tpu.memory_space<hbm>> -> memref<2048xi32, #tpu.memory_space<hbm>>
      tpu.wait_dma2 semaphore(%run_scoped3A : memref<!tpu.dma_semaphore, #tpu.memory_space<semaphore_mem>>) src(%dma_wait3A_66 : memref<2048xi32, #tpu.memory_space<hbm>>) dst(%arg7 : memref<2048xi32, #tpu.memory_space<vmem>>)
      tpu.yield
    }) : () -> ()
    %broadcast_in_dim3A = arith.constant 0.000000e+00 : f32
    %broadcast_in_dim3A_35 = vector.broadcast %broadcast_in_dim3A : f32 to vector<16xf32>
    %scan3A = arith.constant 0 : i32
    %scan3A_36 = arith.constant 128 : i32
    %scan3A_37 = arith.addi %scan3A, %scan3A_36 : i32
    %scan3A_38 = arith.constant 8 : i32
    %scan3A_39:2 = scf.for %scan3A_61 = %scan3A to %scan3A_37 step %scan3A_38 iter_args(%scan3A_62 = %broadcast_in_dim3A_35, %scan3A_63 = %broadcast_in_dim3A_35) -> (vector<16xf32>, vector<16xf32>)  : i32 {
      %mul3A_64 = arith.constant 16 : i32
      %mul3A_65 = arith.muli %scan3A_61, %mul3A_64 : i32
      %get3A = arith.index_cast %mul3A_65 : i32 to index
      %get3A_66 = tpu.vector_load %arg7[%get3A] {strides = array<i32>} : memref<2048xi32, #tpu.memory_space<vmem>>, vector<16xi32>,
      %gather3A = tpu.vector_load_idx %arg6[%get3A_66] : memref<256xf32, #tpu.memory_space<vmem>>[vector<16xi32>], vector<16xf32>,
      %swap3A_67 = arith.index_cast %mul3A_65 : i32 to index
      %swap3A_68 = tpu.vector_load %arg8[%swap3A_67] {strides = array<i32>} : memref<2048xf32, #tpu.memory_space<vmem>>, vector<16xf32>,
      tpu.vector_store %arg8[%swap3A_67], %gather3A {strides = array<i32>} : memref<2048xf32, #tpu.memory_space<vmem>>, vector<16xf32>,
      %add3A_69 = arith.addf %scan3A_62, %gather3A : vector<16xf32>
      %mul3A_70 = arith.mulf %gather3A, %gather3A : vector<16xf32>
      %add3A_71 = arith.addf %scan3A_63, %mul3A_70 : vector<16xf32>
      %scan3A_72 = arith.constant 1 : i32
      %scan3A_73 = arith.addi %scan3A_61, %scan3A_72 : i32
      %mul3A_74 = arith.constant 16 : i32
      %mul3A_75 = arith.muli %scan3A_73, %mul3A_74 : i32
      %get3A_76 = arith.index_cast %mul3A_75 : i32 to index
      %get3A_77 = tpu.vector_load %arg7[%get3A_76] {strides = array<i32>} : memref<2048xi32, #tpu.memory_space<vmem>>, vector<16xi32>,
      %gather3A_78 = tpu.vector_load_idx %arg6[%get3A_77] : memref<256xf32, #tpu.memory_space<vmem>>[vector<16xi32>], vector<16xf32>,
      %swap3A_79 = arith.index_cast %mul3A_75 : i32 to index
      %swap3A_80 = tpu.vector_load %arg8[%swap3A_79] {strides = array<i32>} : memref<2048xf32, #tpu.memory_space<vmem>>, vector<16xf32>,
      tpu.vector_store %arg8[%swap3A_79], %gather3A_78 {strides = array<i32>} : memref<2048xf32, #tpu.memory_space<vmem>>, vector<16xf32>,
      %add3A_81 = arith.addf %add3A_69, %gather3A_78 : vector<16xf32>
      %mul3A_82 = arith.mulf %gather3A_78, %gather3A_78 : vector<16xf32>
      %add3A_83 = arith.addf %add3A_71, %mul3A_82 : vector<16xf32>
      %scan3A_84 = arith.constant 2 : i32
      %scan3A_85 = arith.addi %scan3A_61, %scan3A_84 : i32
      %mul3A_86 = arith.constant 16 : i32
      %mul3A_87 = arith.muli %scan3A_85, %mul3A_86 : i32
      %get3A_88 = arith.index_cast %mul3A_87 : i32 to index
      %get3A_89 = tpu.vector_load %arg7[%get3A_88] {strides = array<i32>} : memref<2048xi32, #tpu.memory_space<vmem>>, vector<16xi32>,
      %gather3A_90 = tpu.vector_load_idx %arg6[%get3A_89] : memref<256xf32, #tpu.memory_space<vmem>>[vector<16xi32>], vector<16xf32>,
      %swap3A_91 = arith.index_cast %mul3A_87 : i32 to index
      %swap3A_92 = tpu.vector_load %arg8[%swap3A_91] {strides = array<i32>} : memref<2048xf32, #tpu.memory_space<vmem>>, vector<16xf32>,
      tpu.vector_store %arg8[%swap3A_91], %gather3A_90 {strides = array<i32>} : memref<2048xf32, #tpu.memory_space<vmem>>, vector<16xf32>,
      %add3A_93 = arith.addf %add3A_81, %gather3A_90 : vector<16xf32>
      %mul3A_94 = arith.mulf %gather3A_90, %gather3A_90 : vector<16xf32>
      %add3A_95 = arith.addf %add3A_83, %mul3A_94 : vector<16xf32>
      %scan3A_96 = arith.constant 3 : i32
      %scan3A_97 = arith.addi %scan3A_61, %scan3A_96 : i32
      %mul3A_98 = arith.constant 16 : i32
      %mul3A_99 = arith.muli %scan3A_97, %mul3A_98 : i32
      %get3A_100 = arith.index_cast %mul3A_99 : i32 to index
      %get3A_101 = tpu.vector_load %arg7[%get3A_100] {strides = array<i32>} : memref<2048xi32, #tpu.memory_space<vmem>>, vector<16xi32>,
      %gather3A_102 = tpu.vector_load_idx %arg6[%get3A_101] : memref<256xf32, #tpu.memory_space<vmem>>[vector<16xi32>], vector<16xf32>,
      %swap3A_103 = arith.index_cast %mul3A_99 : i32 to index
      %swap3A_104 = tpu.vector_load %arg8[%swap3A_103] {strides = array<i32>} : memref<2048xf32, #tpu.memory_space<vmem>>, vector<16xf32>,
      tpu.vector_store %arg8[%swap3A_103], %gather3A_102 {strides = array<i32>} : memref<2048xf32, #tpu.memory_space<vmem>>, vector<16xf32>,
      %add3A_105 = arith.addf %add3A_93, %gather3A_102 : vector<16xf32>
      %mul3A_106 = arith.mulf %gather3A_102, %gather3A_102 : vector<16xf32>
      %add3A_107 = arith.addf %add3A_95, %mul3A_106 : vector<16xf32>
      %scan3A_108 = arith.constant 4 : i32
      %scan3A_109 = arith.addi %scan3A_61, %scan3A_108 : i32
      %mul3A_110 = arith.constant 16 : i32
      %mul3A_111 = arith.muli %scan3A_109, %mul3A_110 : i32
      %get3A_112 = arith.index_cast %mul3A_111 : i32 to index
      %get3A_113 = tpu.vector_load %arg7[%get3A_112] {strides = array<i32>} : memref<2048xi32, #tpu.memory_space<vmem>>, vector<16xi32>,
      %gather3A_114 = tpu.vector_load_idx %arg6[%get3A_113] : memref<256xf32, #tpu.memory_space<vmem>>[vector<16xi32>], vector<16xf32>,
      %swap3A_115 = arith.index_cast %mul3A_111 : i32 to index
      %swap3A_116 = tpu.vector_load %arg8[%swap3A_115] {strides = array<i32>} : memref<2048xf32, #tpu.memory_space<vmem>>, vector<16xf32>,
      tpu.vector_store %arg8[%swap3A_115], %gather3A_114 {strides = array<i32>} : memref<2048xf32, #tpu.memory_space<vmem>>, vector<16xf32>,
      %add3A_117 = arith.addf %add3A_105, %gather3A_114 : vector<16xf32>
      %mul3A_118 = arith.mulf %gather3A_114, %gather3A_114 : vector<16xf32>
      %add3A_119 = arith.addf %add3A_107, %mul3A_118 : vector<16xf32>
      %scan3A_120 = arith.constant 5 : i32
      %scan3A_121 = arith.addi %scan3A_61, %scan3A_120 : i32
      %mul3A_122 = arith.constant 16 : i32
      %mul3A_123 = arith.muli %scan3A_121, %mul3A_122 : i32
      %get3A_124 = arith.index_cast %mul3A_123 : i32 to index
      %get3A_125 = tpu.vector_load %arg7[%get3A_124] {strides = array<i32>} : memref<2048xi32, #tpu.memory_space<vmem>>, vector<16xi32>,
      %gather3A_126 = tpu.vector_load_idx %arg6[%get3A_125] : memref<256xf32, #tpu.memory_space<vmem>>[vector<16xi32>], vector<16xf32>,
      %swap3A_127 = arith.index_cast %mul3A_123 : i32 to index
      %swap3A_128 = tpu.vector_load %arg8[%swap3A_127] {strides = array<i32>} : memref<2048xf32, #tpu.memory_space<vmem>>, vector<16xf32>,
      tpu.vector_store %arg8[%swap3A_127], %gather3A_126 {strides = array<i32>} : memref<2048xf32, #tpu.memory_space<vmem>>, vector<16xf32>,
      %add3A_129 = arith.addf %add3A_117, %gather3A_126 : vector<16xf32>
      %mul3A_130 = arith.mulf %gather3A_126, %gather3A_126 : vector<16xf32>
      %add3A_131 = arith.addf %add3A_119, %mul3A_130 : vector<16xf32>
      %scan3A_132 = arith.constant 6 : i32
      %scan3A_133 = arith.addi %scan3A_61, %scan3A_132 : i32
      %mul3A_134 = arith.constant 16 : i32
      %mul3A_135 = arith.muli %scan3A_133, %mul3A_134 : i32
      %get3A_136 = arith.index_cast %mul3A_135 : i32 to index
      %get3A_137 = tpu.vector_load %arg7[%get3A_136] {strides = array<i32>} : memref<2048xi32, #tpu.memory_space<vmem>>, vector<16xi32>,
      %gather3A_138 = tpu.vector_load_idx %arg6[%get3A_137] : memref<256xf32, #tpu.memory_space<vmem>>[vector<16xi32>], vector<16xf32>,
      %swap3A_139 = arith.index_cast %mul3A_135 : i32 to index
      %swap3A_140 = tpu.vector_load %arg8[%swap3A_139] {strides = array<i32>} : memref<2048xf32, #tpu.memory_space<vmem>>, vector<16xf32>,
      tpu.vector_store %arg8[%swap3A_139], %gather3A_138 {strides = array<i32>} : memref<2048xf32, #tpu.memory_space<vmem>>, vector<16xf32>,
      %add3A_141 = arith.addf %add3A_129, %gather3A_138 : vector<16xf32>
      %mul3A_142 = arith.mulf %gather3A_138, %gather3A_138 : vector<16xf32>
      %add3A_143 = arith.addf %add3A_131, %mul3A_142 : vector<16xf32>
      %scan3A_144 = arith.constant 7 : i32
      %scan3A_145 = arith.addi %scan3A_61, %scan3A_144 : i32
      %mul3A_146 = arith.constant 16 : i32
      %mul3A_147 = arith.muli %scan3A_145, %mul3A_146 : i32
      %get3A_148 = arith.index_cast %mul3A_147 : i32 to index
      %get3A_149 = tpu.vector_load %arg7[%get3A_148] {strides = array<i32>} : memref<2048xi32, #tpu.memory_space<vmem>>, vector<16xi32>,
      %gather3A_150 = tpu.vector_load_idx %arg6[%get3A_149] : memref<256xf32, #tpu.memory_space<vmem>>[vector<16xi32>], vector<16xf32>,
      %swap3A_151 = arith.index_cast %mul3A_147 : i32 to index
      %swap3A_152 = tpu.vector_load %arg8[%swap3A_151] {strides = array<i32>} : memref<2048xf32, #tpu.memory_space<vmem>>, vector<16xf32>,
      tpu.vector_store %arg8[%swap3A_151], %gather3A_150 {strides = array<i32>} : memref<2048xf32, #tpu.memory_space<vmem>>, vector<16xf32>,
      %add3A_153 = arith.addf %add3A_141, %gather3A_150 : vector<16xf32>
      %mul3A_154 = arith.mulf %gather3A_150, %gather3A_150 : vector<16xf32>
      %add3A_155 = arith.addf %add3A_143, %mul3A_154 : vector<16xf32>
      scf.yield %add3A_153, %add3A_155 : vector<16xf32>, vector<16xf32>
    }
    %scan3A_40 = arith.constant 128 : i32
    %iota3A = tpu.iota {dimensions = array<i32: 0>} : vector<16xi32>
    %reduce_sum3A = arith.constant true
    %reduce_sum3A_41 = vector.broadcast %reduce_sum3A : i1 to vector<16xi1>
    %reduce_sum3A_42 = tpu.scan <sum>, %scan3A_39#0 masked %reduce_sum3A_41 : vector<16xf32>, vector<16xi1> -> vector<16xf32>
    %reduce_sum3A_43 = vector.extract %reduce_sum3A_42[15] : f32 from vector<16xf32>
    %broadcast_in_dim3A_44 = vector.broadcast %reduce_sum3A_43 : f32 to vector<16xf32>
    %reduce_sum3A_45 = arith.constant true
    %reduce_sum3A_46 = vector.broadcast %reduce_sum3A_45 : i1 to vector<16xi1>
    %reduce_sum3A_47 = tpu.scan <sum>, %scan3A_39#1 masked %reduce_sum3A_46 : vector<16xf32>, vector<16xi1> -> vector<16xf32>
    %reduce_sum3A_48 = vector.extract %reduce_sum3A_47[15] : f32 from vector<16xf32>
    %broadcast_in_dim3A_49 = vector.broadcast %reduce_sum3A_48 : f32 to vector<16xf32>
    %eq3A_50 = arith.constant 0 : i32
    %eq3A_51 = vector.broadcast %eq3A_50 : i32 to vector<16xi32>
    %eq3A_52 = arith.cmpi eq, %iota3A, %eq3A_51 : vector<16xi32>
    %eq3A_53 = arith.constant 1 : i32
    %eq3A_54 = vector.broadcast %eq3A_53 : i32 to vector<16xi32>
    %eq3A_55 = arith.cmpi eq, %iota3A, %eq3A_54 : vector<16xi32>
    %jit3A_56 = arith.constant 0.000000e+00 : f32
    %broadcast_in_dim3A_57 = vector.broadcast %jit3A_56 : f32 to vector<16xf32>
    %select_n3A_58 = arith.select %eq3A_55, %broadcast_in_dim3A_49, %broadcast_in_dim3A_57 : vector<16xi1>, vector<16xf32>
    %select_n3A_59 = arith.select %eq3A_52, %broadcast_in_dim3A_44, %select_n3A_58 : vector<16xi1>, vector<16xf32>
    %swap3A = arith.constant 0 : index
    %swap3A_60 = tpu.vector_load %arg9[%swap3A] {strides = array<i32>} : memref<16xf32, #tpu.memory_space<vmem>>, vector<16xf32>,
    tpu.vector_store %arg9[%swap3A], %select_n3A_59 {strides = array<i32>} : memref<16xf32, #tpu.memory_space<vmem>>, vector<16xf32>,
    "tpu.region"() ({
      %run_scoped3A = tpu.sem_alloc : memref<!tpu.dma_semaphore, #tpu.memory_space<semaphore_mem>>
      %dma_start3A = tpu.memref_slice %arg4[%mul3A_2] : memref<65536xf32, #tpu.memory_space<hbm>> -> memref<2048xf32, #tpu.memory_space<hbm>>
      %dma_start3A_61 = tpu.memref_slice %arg4[%mul3A_2] : memref<65536xf32, #tpu.memory_space<hbm>> -> memref<2048xf32, #tpu.memory_space<hbm>>
      tpu.enqueue_dma source(%arg8 : memref<2048xf32, #tpu.memory_space<vmem>>) target(%dma_start3A_61 : memref<2048xf32, #tpu.memory_space<hbm>>) target_semaphore(%run_scoped3A : memref<!tpu.dma_semaphore, #tpu.memory_space<semaphore_mem>>)
      %dma_wait3A = tpu.memref_slice %arg4[%mul3A_2] : memref<65536xf32, #tpu.memory_space<hbm>> -> memref<2048xf32, #tpu.memory_space<hbm>>
      %dma_wait3A_62 = tpu.memref_slice %arg4[%mul3A_2] : memref<65536xf32, #tpu.memory_space<hbm>> -> memref<2048xf32, #tpu.memory_space<hbm>>
      tpu.wait_dma2 semaphore(%run_scoped3A : memref<!tpu.dma_semaphore, #tpu.memory_space<semaphore_mem>>) src(%arg8 : memref<2048xf32, #tpu.memory_space<vmem>>) dst(%dma_wait3A_62 : memref<2048xf32, #tpu.memory_space<hbm>>)
      tpu.yield
    }) : () -> ()
    "tpu.region"() ({
      %run_scoped3A = tpu.sem_alloc : memref<!tpu.dma_semaphore, #tpu.memory_space<semaphore_mem>>
      %dma_start3A = arith.constant 0 : i32
      %dma_start3A_61 = tpu.memref_slice %arg5[%add3A, %dma_start3A] : memref<32x16xf32, #tpu.memory_space<hbm>> -> memref<1x16xf32, #tpu.memory_space<hbm>>
      %dma_start3A_62 = tpu.memref_squeeze %dma_start3A_61 : memref<1x16xf32, #tpu.memory_space<hbm>> -> memref<16xf32, #tpu.memory_space<hbm>>
      %dma_start3A_63 = arith.constant 0 : i32
      %dma_start3A_64 = tpu.memref_slice %arg5[%add3A, %dma_start3A_63] : memref<32x16xf32, #tpu.memory_space<hbm>> -> memref<1x16xf32, #tpu.memory_space<hbm>>
      %dma_start3A_65 = tpu.memref_squeeze %dma_start3A_64 : memref<1x16xf32, #tpu.memory_space<hbm>> -> memref<16xf32, #tpu.memory_space<hbm>>
      tpu.enqueue_dma source(%arg9 : memref<16xf32, #tpu.memory_space<vmem>>) target(%dma_start3A_65 : memref<16xf32, #tpu.memory_space<hbm>>) target_semaphore(%run_scoped3A : memref<!tpu.dma_semaphore, #tpu.memory_space<semaphore_mem>>)
      %dma_wait3A = arith.constant 0 : i32
      %dma_wait3A_66 = tpu.memref_slice %arg5[%add3A, %dma_wait3A] : memref<32x16xf32, #tpu.memory_space<hbm>> -> memref<1x16xf32, #tpu.memory_space<hbm>>
      %dma_wait3A_67 = tpu.memref_squeeze %dma_wait3A_66 : memref<1x16xf32, #tpu.memory_space<hbm>> -> memref<16xf32, #tpu.memory_space<hbm>>
      %dma_wait3A_68 = arith.constant 0 : i32
      %dma_wait3A_69 = tpu.memref_slice %arg5[%add3A, %dma_wait3A_68] : memref<32x16xf32, #tpu.memory_space<hbm>> -> memref<1x16xf32, #tpu.memory_space<hbm>>
      %dma_wait3A_70 = tpu.memref_squeeze %dma_wait3A_69 : memref<1x16xf32, #tpu.memory_space<hbm>> -> memref<16xf32, #tpu.memory_space<hbm>>
      tpu.wait_dma2 semaphore(%run_scoped3A : memref<!tpu.dma_semaphore, #tpu.memory_space<semaphore_mem>>) src(%arg9 : memref<16xf32, #tpu.memory_space<vmem>>) dst(%dma_wait3A_70 : memref<16xf32, #tpu.memory_space<hbm>>)
      tpu.yield
    }) : () -> ()
    return
  }
}

#map = affine_map<(d0, d1) -> (0)>
#map1 = affine_map<(d0, d1) -> (0, 0)>
module attributes {stable_mosaic.version = 14 : i64} {
  func.func @bn_k(%arg0: i32, %arg1: i32, %arg2: memref<65536xf32, #tpu.memory_space<hbm>>, %arg3: memref<32x16xf32, #tpu.memory_space<hbm>>, %arg4: memref<16xf32, #tpu.memory_space<hbm>>, %arg5: memref<327680xf32, #tpu.memory_space<hbm>>, %arg6: memref<32x16xf32, #tpu.memory_space<vmem>>, %arg7: memref<16xf32, #tpu.memory_space<vmem>>, %arg8: memref<2048xf32, #tpu.memory_space<vmem>>, %arg9: memref<10240xf32, #tpu.memory_space<vmem>>) attributes {dimension_semantics = [#tpu.dimension_semantics<core_parallel>, #tpu.dimension_semantics<subcore_parallel>], iteration_bounds = array<i64: 2, 16>, scalar_prefetch = 0 : i64, scratch_operands = 4 : i64, tpu.core_type = #tpu.core_type<sc_vector_subcore>, window_params = [{transform_indices = #map}, {transform_indices = #map1}, {transform_indices = #map}, {transform_indices = #map}]} {
    %mul3A = arith.constant 2 : i32
    %mul3A_0 = arith.muli %arg1, %mul3A : i32
    %add3A = arith.addi %mul3A_0, %arg0 : i32
    %mul3A_1 = arith.constant 2048 : i32
    %mul3A_2 = arith.muli %add3A, %mul3A_1 : i32
    "tpu.region"() ({
      %run_scoped3A = tpu.sem_alloc : memref<!tpu.dma_semaphore, #tpu.memory_space<semaphore_mem>>
      tpu.enqueue_dma source(%arg3 : memref<32x16xf32, #tpu.memory_space<hbm>>) target(%arg6 : memref<32x16xf32, #tpu.memory_space<vmem>>) target_semaphore(%run_scoped3A : memref<!tpu.dma_semaphore, #tpu.memory_space<semaphore_mem>>)
      tpu.wait_dma2 semaphore(%run_scoped3A : memref<!tpu.dma_semaphore, #tpu.memory_space<semaphore_mem>>) src(%arg3 : memref<32x16xf32, #tpu.memory_space<hbm>>) dst(%arg6 : memref<32x16xf32, #tpu.memory_space<vmem>>)
      tpu.yield
    }) : () -> ()
    "tpu.region"() ({
      %run_scoped3A = tpu.sem_alloc : memref<!tpu.dma_semaphore, #tpu.memory_space<semaphore_mem>>
      tpu.enqueue_dma source(%arg4 : memref<16xf32, #tpu.memory_space<hbm>>) target(%arg7 : memref<16xf32, #tpu.memory_space<vmem>>) target_semaphore(%run_scoped3A : memref<!tpu.dma_semaphore, #tpu.memory_space<semaphore_mem>>)
      tpu.wait_dma2 semaphore(%run_scoped3A : memref<!tpu.dma_semaphore, #tpu.memory_space<semaphore_mem>>) src(%arg4 : memref<16xf32, #tpu.memory_space<hbm>>) dst(%arg7 : memref<16xf32, #tpu.memory_space<vmem>>)
      tpu.yield
    }) : () -> ()
    "tpu.region"() ({
      %run_scoped3A = tpu.sem_alloc : memref<!tpu.dma_semaphore, #tpu.memory_space<semaphore_mem>>
      %dma_start3A = tpu.memref_slice %arg2[%mul3A_2] : memref<65536xf32, #tpu.memory_space<hbm>> -> memref<2048xf32, #tpu.memory_space<hbm>>
      %dma_start3A_259 = tpu.memref_slice %arg2[%mul3A_2] : memref<65536xf32, #tpu.memory_space<hbm>> -> memref<2048xf32, #tpu.memory_space<hbm>>
      tpu.enqueue_dma source(%dma_start3A_259 : memref<2048xf32, #tpu.memory_space<hbm>>) target(%arg8 : memref<2048xf32, #tpu.memory_space<vmem>>) target_semaphore(%run_scoped3A : memref<!tpu.dma_semaphore, #tpu.memory_space<semaphore_mem>>)
      %dma_wait3A = tpu.memref_slice %arg2[%mul3A_2] : memref<65536xf32, #tpu.memory_space<hbm>> -> memref<2048xf32, #tpu.memory_space<hbm>>
      %dma_wait3A_260 = tpu.memref_slice %arg2[%mul3A_2] : memref<65536xf32, #tpu.memory_space<hbm>> -> memref<2048xf32, #tpu.memory_space<hbm>>
      tpu.wait_dma2 semaphore(%run_scoped3A : memref<!tpu.dma_semaphore, #tpu.memory_space<semaphore_mem>>) src(%dma_wait3A_260 : memref<2048xf32, #tpu.memory_space<hbm>>) dst(%arg8 : memref<2048xf32, #tpu.memory_space<vmem>>)
      tpu.yield
    }) : () -> ()
    %broadcast_in_dim3A = arith.constant 0.000000e+00 : f32
    %broadcast_in_dim3A_3 = vector.broadcast %broadcast_in_dim3A : f32 to vector<16xf32>
    %get3A = arith.constant 0 : i32
    %get3A_4 = arith.index_cast %get3A : i32 to index
    %get3A_5 = arith.constant 0 : index
    %get3A_6 = tpu.vector_load %arg6[%get3A_4, %get3A_5] {strides = array<i32>} : memref<32x16xf32, #tpu.memory_space<vmem>>, vector<16xf32>,
    %add3A_7 = arith.addf %broadcast_in_dim3A_3, %get3A_6 : vector<16xf32>
    %get3A_8 = arith.constant 1 : i32
    %get3A_9 = arith.index_cast %get3A_8 : i32 to index
    %get3A_10 = arith.constant 0 : index
    %get3A_11 = tpu.vector_load %arg6[%get3A_9, %get3A_10] {strides = array<i32>} : memref<32x16xf32, #tpu.memory_space<vmem>>, vector<16xf32>,
    %add3A_12 = arith.addf %add3A_7, %get3A_11 : vector<16xf32>
    %get3A_13 = arith.constant 2 : i32
    %get3A_14 = arith.index_cast %get3A_13 : i32 to index
    %get3A_15 = arith.constant 0 : index
    %get3A_16 = tpu.vector_load %arg6[%get3A_14, %get3A_15] {strides = array<i32>} : memref<32x16xf32, #tpu.memory_space<vmem>>, vector<16xf32>,
    %add3A_17 = arith.addf %add3A_12, %get3A_16 : vector<16xf32>
    %get3A_18 = arith.constant 3 : i32
    %get3A_19 = arith.index_cast %get3A_18 : i32 to index
    %get3A_20 = arith.constant 0 : index
    %get3A_21 = tpu.vector_load %arg6[%get3A_19, %get3A_20] {strides = array<i32>} : memref<32x16xf32, #tpu.memory_space<vmem>>, vector<16xf32>,
    %add3A_22 = arith.addf %add3A_17, %get3A_21 : vector<16xf32>
    %get3A_23 = arith.constant 4 : i32
    %get3A_24 = arith.index_cast %get3A_23 : i32 to index
    %get3A_25 = arith.constant 0 : index
    %get3A_26 = tpu.vector_load %arg6[%get3A_24, %get3A_25] {strides = array<i32>} : memref<32x16xf32, #tpu.memory_space<vmem>>, vector<16xf32>,
    %add3A_27 = arith.addf %add3A_22, %get3A_26 : vector<16xf32>
    %get3A_28 = arith.constant 5 : i32
    %get3A_29 = arith.index_cast %get3A_28 : i32 to index
    %get3A_30 = arith.constant 0 : index
    %get3A_31 = tpu.vector_load %arg6[%get3A_29, %get3A_30] {strides = array<i32>} : memref<32x16xf32, #tpu.memory_space<vmem>>, vector<16xf32>,
    %add3A_32 = arith.addf %add3A_27, %get3A_31 : vector<16xf32>
    %get3A_33 = arith.constant 6 : i32
    %get3A_34 = arith.index_cast %get3A_33 : i32 to index
    %get3A_35 = arith.constant 0 : index
    %get3A_36 = tpu.vector_load %arg6[%get3A_34, %get3A_35] {strides = array<i32>} : memref<32x16xf32, #tpu.memory_space<vmem>>, vector<16xf32>,
    %add3A_37 = arith.addf %add3A_32, %get3A_36 : vector<16xf32>
    %get3A_38 = arith.constant 7 : i32
    %get3A_39 = arith.index_cast %get3A_38 : i32 to index
    %get3A_40 = arith.constant 0 : index
    %get3A_41 = tpu.vector_load %arg6[%get3A_39, %get3A_40] {strides = array<i32>} : memref<32x16xf32, #tpu.memory_space<vmem>>, vector<16xf32>,
    %add3A_42 = arith.addf %add3A_37, %get3A_41 : vector<16xf32>
    %get3A_43 = arith.constant 8 : i32
    %get3A_44 = arith.index_cast %get3A_43 : i32 to index
    %get3A_45 = arith.constant 0 : index
    %get3A_46 = tpu.vector_load %arg6[%get3A_44, %get3A_45] {strides = array<i32>} : memref<32x16xf32, #tpu.memory_space<vmem>>, vector<16xf32>,
    %add3A_47 = arith.addf %add3A_42, %get3A_46 : vector<16xf32>
    %get3A_48 = arith.constant 9 : i32
    %get3A_49 = arith.index_cast %get3A_48 : i32 to index
    %get3A_50 = arith.constant 0 : index
    %get3A_51 = tpu.vector_load %arg6[%get3A_49, %get3A_50] {strides = array<i32>} : memref<32x16xf32, #tpu.memory_space<vmem>>, vector<16xf32>,
    %add3A_52 = arith.addf %add3A_47, %get3A_51 : vector<16xf32>
    %get3A_53 = arith.constant 10 : i32
    %get3A_54 = arith.index_cast %get3A_53 : i32 to index
    %get3A_55 = arith.constant 0 : index
    %get3A_56 = tpu.vector_load %arg6[%get3A_54, %get3A_55] {strides = array<i32>} : memref<32x16xf32, #tpu.memory_space<vmem>>, vector<16xf32>,
    %add3A_57 = arith.addf %add3A_52, %get3A_56 : vector<16xf32>
    %get3A_58 = arith.constant 11 : i32
    %get3A_59 = arith.index_cast %get3A_58 : i32 to index
    %get3A_60 = arith.constant 0 : index
    %get3A_61 = tpu.vector_load %arg6[%get3A_59, %get3A_60] {strides = array<i32>} : memref<32x16xf32, #tpu.memory_space<vmem>>, vector<16xf32>,
    %add3A_62 = arith.addf %add3A_57, %get3A_61 : vector<16xf32>
    %get3A_63 = arith.constant 12 : i32
    %get3A_64 = arith.index_cast %get3A_63 : i32 to index
    %get3A_65 = arith.constant 0 : index
    %get3A_66 = tpu.vector_load %arg6[%get3A_64, %get3A_65] {strides = array<i32>} : memref<32x16xf32, #tpu.memory_space<vmem>>, vector<16xf32>,
    %add3A_67 = arith.addf %add3A_62, %get3A_66 : vector<16xf32>
    %get3A_68 = arith.constant 13 : i32
    %get3A_69 = arith.index_cast %get3A_68 : i32 to index
    %get3A_70 = arith.constant 0 : index
    %get3A_71 = tpu.vector_load %arg6[%get3A_69, %get3A_70] {strides = array<i32>} : memref<32x16xf32, #tpu.memory_space<vmem>>, vector<16xf32>,
    %add3A_72 = arith.addf %add3A_67, %get3A_71 : vector<16xf32>
    %get3A_73 = arith.constant 14 : i32
    %get3A_74 = arith.index_cast %get3A_73 : i32 to index
    %get3A_75 = arith.constant 0 : index
    %get3A_76 = tpu.vector_load %arg6[%get3A_74, %get3A_75] {strides = array<i32>} : memref<32x16xf32, #tpu.memory_space<vmem>>, vector<16xf32>,
    %add3A_77 = arith.addf %add3A_72, %get3A_76 : vector<16xf32>
    %get3A_78 = arith.constant 15 : i32
    %get3A_79 = arith.index_cast %get3A_78 : i32 to index
    %get3A_80 = arith.constant 0 : index
    %get3A_81 = tpu.vector_load %arg6[%get3A_79, %get3A_80] {strides = array<i32>} : memref<32x16xf32, #tpu.memory_space<vmem>>, vector<16xf32>,
    %add3A_82 = arith.addf %add3A_77, %get3A_81 : vector<16xf32>
    %get3A_83 = arith.constant 16 : i32
    %get3A_84 = arith.index_cast %get3A_83 : i32 to index
    %get3A_85 = arith.constant 0 : index
    %get3A_86 = tpu.vector_load %arg6[%get3A_84, %get3A_85] {strides = array<i32>} : memref<32x16xf32, #tpu.memory_space<vmem>>, vector<16xf32>,
    %add3A_87 = arith.addf %add3A_82, %get3A_86 : vector<16xf32>
    %get3A_88 = arith.constant 17 : i32
    %get3A_89 = arith.index_cast %get3A_88 : i32 to index
    %get3A_90 = arith.constant 0 : index
    %get3A_91 = tpu.vector_load %arg6[%get3A_89, %get3A_90] {strides = array<i32>} : memref<32x16xf32, #tpu.memory_space<vmem>>, vector<16xf32>,
    %add3A_92 = arith.addf %add3A_87, %get3A_91 : vector<16xf32>
    %get3A_93 = arith.constant 18 : i32
    %get3A_94 = arith.index_cast %get3A_93 : i32 to index
    %get3A_95 = arith.constant 0 : index
    %get3A_96 = tpu.vector_load %arg6[%get3A_94, %get3A_95] {strides = array<i32>} : memref<32x16xf32, #tpu.memory_space<vmem>>, vector<16xf32>,
    %add3A_97 = arith.addf %add3A_92, %get3A_96 : vector<16xf32>
    %get3A_98 = arith.constant 19 : i32
    %get3A_99 = arith.index_cast %get3A_98 : i32 to index
    %get3A_100 = arith.constant 0 : index
    %get3A_101 = tpu.vector_load %arg6[%get3A_99, %get3A_100] {strides = array<i32>} : memref<32x16xf32, #tpu.memory_space<vmem>>, vector<16xf32>,
    %add3A_102 = arith.addf %add3A_97, %get3A_101 : vector<16xf32>
    %get3A_103 = arith.constant 20 : i32
    %get3A_104 = arith.index_cast %get3A_103 : i32 to index
    %get3A_105 = arith.constant 0 : index
    %get3A_106 = tpu.vector_load %arg6[%get3A_104, %get3A_105] {strides = array<i32>} : memref<32x16xf32, #tpu.memory_space<vmem>>, vector<16xf32>,
    %add3A_107 = arith.addf %add3A_102, %get3A_106 : vector<16xf32>
    %get3A_108 = arith.constant 21 : i32
    %get3A_109 = arith.index_cast %get3A_108 : i32 to index
    %get3A_110 = arith.constant 0 : index
    %get3A_111 = tpu.vector_load %arg6[%get3A_109, %get3A_110] {strides = array<i32>} : memref<32x16xf32, #tpu.memory_space<vmem>>, vector<16xf32>,
    %add3A_112 = arith.addf %add3A_107, %get3A_111 : vector<16xf32>
    %get3A_113 = arith.constant 22 : i32
    %get3A_114 = arith.index_cast %get3A_113 : i32 to index
    %get3A_115 = arith.constant 0 : index
    %get3A_116 = tpu.vector_load %arg6[%get3A_114, %get3A_115] {strides = array<i32>} : memref<32x16xf32, #tpu.memory_space<vmem>>, vector<16xf32>,
    %add3A_117 = arith.addf %add3A_112, %get3A_116 : vector<16xf32>
    %get3A_118 = arith.constant 23 : i32
    %get3A_119 = arith.index_cast %get3A_118 : i32 to index
    %get3A_120 = arith.constant 0 : index
    %get3A_121 = tpu.vector_load %arg6[%get3A_119, %get3A_120] {strides = array<i32>} : memref<32x16xf32, #tpu.memory_space<vmem>>, vector<16xf32>,
    %add3A_122 = arith.addf %add3A_117, %get3A_121 : vector<16xf32>
    %get3A_123 = arith.constant 24 : i32
    %get3A_124 = arith.index_cast %get3A_123 : i32 to index
    %get3A_125 = arith.constant 0 : index
    %get3A_126 = tpu.vector_load %arg6[%get3A_124, %get3A_125] {strides = array<i32>} : memref<32x16xf32, #tpu.memory_space<vmem>>, vector<16xf32>,
    %add3A_127 = arith.addf %add3A_122, %get3A_126 : vector<16xf32>
    %get3A_128 = arith.constant 25 : i32
    %get3A_129 = arith.index_cast %get3A_128 : i32 to index
    %get3A_130 = arith.constant 0 : index
    %get3A_131 = tpu.vector_load %arg6[%get3A_129, %get3A_130] {strides = array<i32>} : memref<32x16xf32, #tpu.memory_space<vmem>>, vector<16xf32>,
    %add3A_132 = arith.addf %add3A_127, %get3A_131 : vector<16xf32>
    %get3A_133 = arith.constant 26 : i32
    %get3A_134 = arith.index_cast %get3A_133 : i32 to index
    %get3A_135 = arith.constant 0 : index
    %get3A_136 = tpu.vector_load %arg6[%get3A_134, %get3A_135] {strides = array<i32>} : memref<32x16xf32, #tpu.memory_space<vmem>>, vector<16xf32>,
    %add3A_137 = arith.addf %add3A_132, %get3A_136 : vector<16xf32>
    %get3A_138 = arith.constant 27 : i32
    %get3A_139 = arith.index_cast %get3A_138 : i32 to index
    %get3A_140 = arith.constant 0 : index
    %get3A_141 = tpu.vector_load %arg6[%get3A_139, %get3A_140] {strides = array<i32>} : memref<32x16xf32, #tpu.memory_space<vmem>>, vector<16xf32>,
    %add3A_142 = arith.addf %add3A_137, %get3A_141 : vector<16xf32>
    %get3A_143 = arith.constant 28 : i32
    %get3A_144 = arith.index_cast %get3A_143 : i32 to index
    %get3A_145 = arith.constant 0 : index
    %get3A_146 = tpu.vector_load %arg6[%get3A_144, %get3A_145] {strides = array<i32>} : memref<32x16xf32, #tpu.memory_space<vmem>>, vector<16xf32>,
    %add3A_147 = arith.addf %add3A_142, %get3A_146 : vector<16xf32>
    %get3A_148 = arith.constant 29 : i32
    %get3A_149 = arith.index_cast %get3A_148 : i32 to index
    %get3A_150 = arith.constant 0 : index
    %get3A_151 = tpu.vector_load %arg6[%get3A_149, %get3A_150] {strides = array<i32>} : memref<32x16xf32, #tpu.memory_space<vmem>>, vector<16xf32>,
    %add3A_152 = arith.addf %add3A_147, %get3A_151 : vector<16xf32>
    %get3A_153 = arith.constant 30 : i32
    %get3A_154 = arith.index_cast %get3A_153 : i32 to index
    %get3A_155 = arith.constant 0 : index
    %get3A_156 = tpu.vector_load %arg6[%get3A_154, %get3A_155] {strides = array<i32>} : memref<32x16xf32, #tpu.memory_space<vmem>>, vector<16xf32>,
    %add3A_157 = arith.addf %add3A_152, %get3A_156 : vector<16xf32>
    %get3A_158 = arith.constant 31 : i32
    %get3A_159 = arith.index_cast %get3A_158 : i32 to index
    %get3A_160 = arith.constant 0 : index
    %get3A_161 = tpu.vector_load %arg6[%get3A_159, %get3A_160] {strides = array<i32>} : memref<32x16xf32, #tpu.memory_space<vmem>>, vector<16xf32>,
    %add3A_162 = arith.addf %add3A_157, %get3A_161 : vector<16xf32>
    %iota3A = tpu.iota {dimensions = array<i32: 0>} : vector<16xi32>
    %eq3A = arith.constant 0 : i32
    %eq3A_163 = vector.broadcast %eq3A : i32 to vector<16xi32>
    %eq3A_164 = arith.cmpi eq, %iota3A, %eq3A_163 : vector<16xi32>
    %jit3A = arith.constant 0.000000e+00 : f32
    %broadcast_in_dim3A_165 = vector.broadcast %jit3A : f32 to vector<16xf32>
    %select_n3A = arith.select %eq3A_164, %add3A_162, %broadcast_in_dim3A_165 : vector<16xi1>, vector<16xf32>
    %reduce_sum3A = arith.constant true
    %reduce_sum3A_166 = vector.broadcast %reduce_sum3A : i1 to vector<16xi1>
    %reduce_sum3A_167 = tpu.scan <sum>, %select_n3A masked %reduce_sum3A_166 : vector<16xf32>, vector<16xi1> -> vector<16xf32>
    %reduce_sum3A_168 = vector.extract %reduce_sum3A_167[15] : f32 from vector<16xf32>
    %mul3A_169 = arith.constant 1.52587891E-5 : f32
    %mul3A_170 = arith.mulf %reduce_sum3A_168, %mul3A_169 : f32
    %iota3A_171 = tpu.iota {dimensions = array<i32: 0>} : vector<16xi32>
    %eq3A_172 = arith.constant 1 : i32
    %eq3A_173 = vector.broadcast %eq3A_172 : i32 to vector<16xi32>
    %eq3A_174 = arith.cmpi eq, %iota3A_171, %eq3A_173 : vector<16xi32>
    %jit3A_175 = arith.constant 0.000000e+00 : f32
    %broadcast_in_dim3A_176 = vector.broadcast %jit3A_175 : f32 to vector<16xf32>
    %select_n3A_177 = arith.select %eq3A_174, %add3A_162, %broadcast_in_dim3A_176 : vector<16xi1>, vector<16xf32>
    %reduce_sum3A_178 = arith.constant true
    %reduce_sum3A_179 = vector.broadcast %reduce_sum3A_178 : i1 to vector<16xi1>
    %reduce_sum3A_180 = tpu.scan <sum>, %select_n3A_177 masked %reduce_sum3A_179 : vector<16xf32>, vector<16xi1> -> vector<16xf32>
    %reduce_sum3A_181 = vector.extract %reduce_sum3A_180[15] : f32 from vector<16xf32>
    %mul3A_182 = arith.constant 1.52587891E-5 : f32
    %mul3A_183 = arith.mulf %reduce_sum3A_181, %mul3A_182 : f32
    %mul3A_184 = arith.mulf %mul3A_170, %mul3A_170 : f32
    %sub3A = arith.subf %mul3A_183, %mul3A_184 : f32
    %add3A_185 = arith.constant 9.99999974E-6 : f32
    %add3A_186 = arith.addf %sub3A, %add3A_185 : f32
    %broadcast_in_dim3A_187 = vector.broadcast %add3A_186 : f32 to vector<16xf32>
    %bitcast3A = vector.bitcast %broadcast_in_dim3A_187 : vector<16xf32> to vector<16xi32>
    %shift_right_arithmetic3A = arith.constant 1 : i32
    %shift_right_arithmetic3A_188 = vector.broadcast %shift_right_arithmetic3A : i32 to vector<16xi32>
    %shift_right_arithmetic3A_189 = arith.shrsi %bitcast3A, %shift_right_arithmetic3A_188 : vector<16xi32>
    %sub3A_190 = arith.constant 1597463007 : i32
    %sub3A_191 = vector.broadcast %sub3A_190 : i32 to vector<16xi32>
    %sub3A_192 = arith.subi %sub3A_191, %shift_right_arithmetic3A_189 : vector<16xi32>
    %bitcast3A_193 = vector.bitcast %sub3A_192 : vector<16xi32> to vector<16xf32>
    %mul3A_194 = arith.constant 5.000000e-01 : f32
    %mul3A_195 = vector.broadcast %mul3A_194 : f32 to vector<16xf32>
    %mul3A_196 = arith.mulf %mul3A_195, %broadcast_in_dim3A_187 : vector<16xf32>
    %mul3A_197 = arith.mulf %mul3A_196, %bitcast3A_193 : vector<16xf32>
    %mul3A_198 = arith.mulf %mul3A_197, %bitcast3A_193 : vector<16xf32>
    %sub3A_199 = arith.constant 1.500000e+00 : f32
    %sub3A_200 = vector.broadcast %sub3A_199 : f32 to vector<16xf32>
    %sub3A_201 = arith.subf %sub3A_200, %mul3A_198 : vector<16xf32>
    %mul3A_202 = arith.mulf %bitcast3A_193, %sub3A_201 : vector<16xf32>
    %mul3A_203 = arith.constant 5.000000e-01 : f32
    %mul3A_204 = vector.broadcast %mul3A_203 : f32 to vector<16xf32>
    %mul3A_205 = arith.mulf %mul3A_204, %broadcast_in_dim3A_187 : vector<16xf32>
    %mul3A_206 = arith.mulf %mul3A_205, %mul3A_202 : vector<16xf32>
    %mul3A_207 = arith.mulf %mul3A_206, %mul3A_202 : vector<16xf32>
    %sub3A_208 = arith.constant 1.500000e+00 : f32
    %sub3A_209 = vector.broadcast %sub3A_208 : f32 to vector<16xf32>
    %sub3A_210 = arith.subf %sub3A_209, %mul3A_207 : vector<16xf32>
    %mul3A_211 = arith.mulf %mul3A_202, %sub3A_210 : vector<16xf32>
    %mul3A_212 = arith.constant 5.000000e-01 : f32
    %mul3A_213 = vector.broadcast %mul3A_212 : f32 to vector<16xf32>
    %mul3A_214 = arith.mulf %mul3A_213, %broadcast_in_dim3A_187 : vector<16xf32>
    %mul3A_215 = arith.mulf %mul3A_214, %mul3A_211 : vector<16xf32>
    %mul3A_216 = arith.mulf %mul3A_215, %mul3A_211 : vector<16xf32>
    %sub3A_217 = arith.constant 1.500000e+00 : f32
    %sub3A_218 = vector.broadcast %sub3A_217 : f32 to vector<16xf32>
    %sub3A_219 = arith.subf %sub3A_218, %mul3A_216 : vector<16xf32>
    %mul3A_220 = arith.mulf %mul3A_211, %sub3A_219 : vector<16xf32>
    %get3A_221 = arith.constant 0 : index
    %get3A_222 = tpu.vector_load %arg7[%get3A_221] {strides = array<i32>} : memref<16xf32, #tpu.memory_space<vmem>>, vector<16xf32>,
    %iota3A_223 = tpu.iota {dimensions = array<i32: 0>} : vector<16xi32>
    %eq3A_224 = arith.constant 0 : i32
    %eq3A_225 = vector.broadcast %eq3A_224 : i32 to vector<16xi32>
    %eq3A_226 = arith.cmpi eq, %iota3A_223, %eq3A_225 : vector<16xi32>
    %jit3A_227 = arith.constant 0.000000e+00 : f32
    %broadcast_in_dim3A_228 = vector.broadcast %jit3A_227 : f32 to vector<16xf32>
    %select_n3A_229 = arith.select %eq3A_226, %get3A_222, %broadcast_in_dim3A_228 : vector<16xi1>, vector<16xf32>
    %reduce_sum3A_230 = arith.constant true
    %reduce_sum3A_231 = vector.broadcast %reduce_sum3A_230 : i1 to vector<16xi1>
    %reduce_sum3A_232 = tpu.scan <sum>, %select_n3A_229 masked %reduce_sum3A_231 : vector<16xf32>, vector<16xi1> -> vector<16xf32>
    %reduce_sum3A_233 = vector.extract %reduce_sum3A_232[15] : f32 from vector<16xf32>
    %broadcast_in_dim3A_234 = vector.broadcast %reduce_sum3A_233 : f32 to vector<16xf32>
    %iota3A_235 = tpu.iota {dimensions = array<i32: 0>} : vector<16xi32>
    %eq3A_236 = arith.constant 1 : i32
    %eq3A_237 = vector.broadcast %eq3A_236 : i32 to vector<16xi32>
    %eq3A_238 = arith.cmpi eq, %iota3A_235, %eq3A_237 : vector<16xi32>
    %jit3A_239 = arith.constant 0.000000e+00 : f32
    %broadcast_in_dim3A_240 = vector.broadcast %jit3A_239 : f32 to vector<16xf32>
    %select_n3A_241 = arith.select %eq3A_238, %get3A_222, %broadcast_in_dim3A_240 : vector<16xi1>, vector<16xf32>
    %reduce_sum3A_242 = arith.constant true
    %reduce_sum3A_243 = vector.broadcast %reduce_sum3A_242 : i1 to vector<16xi1>
    %reduce_sum3A_244 = tpu.scan <sum>, %select_n3A_241 masked %reduce_sum3A_243 : vector<16xf32>, vector<16xi1> -> vector<16xf32>
    %reduce_sum3A_245 = vector.extract %reduce_sum3A_244[15] : f32 from vector<16xf32>
    %broadcast_in_dim3A_246 = vector.broadcast %reduce_sum3A_245 : f32 to vector<16xf32>
    %mul3A_247 = arith.mulf %broadcast_in_dim3A_234, %mul3A_220 : vector<16xf32>
    %mul3A_248 = vector.broadcast %mul3A_170 : f32 to vector<16xf32>
    %mul3A_249 = arith.mulf %mul3A_247, %mul3A_248 : vector<16xf32>
    %sub3A_250 = arith.subf %broadcast_in_dim3A_246, %mul3A_249 : vector<16xf32>
    %iota3A_251 = tpu.iota {dimensions = array<i32: 0>} : vector<16xi32>
    %scan3A = arith.constant 0 : i32
    %scan3A_252 = arith.constant 0 : i32
    %scan3A_253 = arith.constant 128 : i32
    %scan3A_254 = arith.addi %scan3A_252, %scan3A_253 : i32
    %scan3A_255 = arith.constant 4 : i32
    scf.for %scan3A_259 = %scan3A_252 to %scan3A_254 step %scan3A_255  : i32 {
      %mul3A_260 = arith.constant 16 : i32
      %mul3A_261 = arith.muli %scan3A_259, %mul3A_260 : i32
      %get3A_262 = arith.index_cast %mul3A_261 : i32 to index
      %get3A_263 = tpu.vector_load %arg8[%get3A_262] {strides = array<i32>} : memref<2048xf32, #tpu.memory_space<vmem>>, vector<16xf32>,
      %mul3A_264 = arith.mulf %mul3A_247, %get3A_263 : vector<16xf32>
      %add3A_265 = arith.addf %mul3A_264, %sub3A_250 : vector<16xf32>
      %add3A_266 = vector.broadcast %mul3A_261 : i32 to vector<16xi32>
      %add3A_267 = arith.addi %iota3A_251, %add3A_266 : vector<16xi32>
      %mul3A_268 = arith.constant 5 : i32
      %mul3A_269 = vector.broadcast %mul3A_268 : i32 to vector<16xi32>
      %mul3A_270 = arith.muli %add3A_267, %mul3A_269 : vector<16xi32>
      %add3A_271 = arith.constant 0 : i32
      %add3A_272 = vector.broadcast %add3A_271 : i32 to vector<16xi32>
      %add3A_273 = arith.addi %mul3A_270, %add3A_272 : vector<16xi32>
      tpu.vector_store_idx %arg9[%add3A_273], %add3A_265 : memref<10240xf32, #tpu.memory_space<vmem>>[vector<16xi32>], vector<16xf32>,
      %add3A_274 = arith.constant 1 : i32
      %add3A_275 = vector.broadcast %add3A_274 : i32 to vector<16xi32>
      %add3A_276 = arith.addi %mul3A_270, %add3A_275 : vector<16xi32>
      tpu.vector_store_idx %arg9[%add3A_276], %add3A_265 : memref<10240xf32, #tpu.memory_space<vmem>>[vector<16xi32>], vector<16xf32>,
      %add3A_277 = arith.constant 2 : i32
      %add3A_278 = vector.broadcast %add3A_277 : i32 to vector<16xi32>
      %add3A_279 = arith.addi %mul3A_270, %add3A_278 : vector<16xi32>
      tpu.vector_store_idx %arg9[%add3A_279], %add3A_265 : memref<10240xf32, #tpu.memory_space<vmem>>[vector<16xi32>], vector<16xf32>,
      %add3A_280 = arith.constant 3 : i32
      %add3A_281 = vector.broadcast %add3A_280 : i32 to vector<16xi32>
      %add3A_282 = arith.addi %mul3A_270, %add3A_281 : vector<16xi32>
      tpu.vector_store_idx %arg9[%add3A_282], %add3A_265 : memref<10240xf32, #tpu.memory_space<vmem>>[vector<16xi32>], vector<16xf32>,
      %add3A_283 = arith.constant 4 : i32
      %add3A_284 = vector.broadcast %add3A_283 : i32 to vector<16xi32>
      %add3A_285 = arith.addi %mul3A_270, %add3A_284 : vector<16xi32>
      tpu.vector_store_idx %arg9[%add3A_285], %add3A_265 : memref<10240xf32, #tpu.memory_space<vmem>>[vector<16xi32>], vector<16xf32>,
      %scan3A_286 = arith.constant 1 : i32
      %scan3A_287 = arith.addi %scan3A_259, %scan3A_286 : i32
      %mul3A_288 = arith.constant 16 : i32
      %mul3A_289 = arith.muli %scan3A_287, %mul3A_288 : i32
      %get3A_290 = arith.index_cast %mul3A_289 : i32 to index
      %get3A_291 = tpu.vector_load %arg8[%get3A_290] {strides = array<i32>} : memref<2048xf32, #tpu.memory_space<vmem>>, vector<16xf32>,
      %mul3A_292 = arith.mulf %mul3A_247, %get3A_291 : vector<16xf32>
      %add3A_293 = arith.addf %mul3A_292, %sub3A_250 : vector<16xf32>
      %add3A_294 = vector.broadcast %mul3A_289 : i32 to vector<16xi32>
      %add3A_295 = arith.addi %iota3A_251, %add3A_294 : vector<16xi32>
      %mul3A_296 = arith.constant 5 : i32
      %mul3A_297 = vector.broadcast %mul3A_296 : i32 to vector<16xi32>
      %mul3A_298 = arith.muli %add3A_295, %mul3A_297 : vector<16xi32>
      %add3A_299 = arith.constant 0 : i32
      %add3A_300 = vector.broadcast %add3A_299 : i32 to vector<16xi32>
      %add3A_301 = arith.addi %mul3A_298, %add3A_300 : vector<16xi32>
      tpu.vector_store_idx %arg9[%add3A_301], %add3A_293 : memref<10240xf32, #tpu.memory_space<vmem>>[vector<16xi32>], vector<16xf32>,
      %add3A_302 = arith.constant 1 : i32
      %add3A_303 = vector.broadcast %add3A_302 : i32 to vector<16xi32>
      %add3A_304 = arith.addi %mul3A_298, %add3A_303 : vector<16xi32>
      tpu.vector_store_idx %arg9[%add3A_304], %add3A_293 : memref<10240xf32, #tpu.memory_space<vmem>>[vector<16xi32>], vector<16xf32>,
      %add3A_305 = arith.constant 2 : i32
      %add3A_306 = vector.broadcast %add3A_305 : i32 to vector<16xi32>
      %add3A_307 = arith.addi %mul3A_298, %add3A_306 : vector<16xi32>
      tpu.vector_store_idx %arg9[%add3A_307], %add3A_293 : memref<10240xf32, #tpu.memory_space<vmem>>[vector<16xi32>], vector<16xf32>,
      %add3A_308 = arith.constant 3 : i32
      %add3A_309 = vector.broadcast %add3A_308 : i32 to vector<16xi32>
      %add3A_310 = arith.addi %mul3A_298, %add3A_309 : vector<16xi32>
      tpu.vector_store_idx %arg9[%add3A_310], %add3A_293 : memref<10240xf32, #tpu.memory_space<vmem>>[vector<16xi32>], vector<16xf32>,
      %add3A_311 = arith.constant 4 : i32
      %add3A_312 = vector.broadcast %add3A_311 : i32 to vector<16xi32>
      %add3A_313 = arith.addi %mul3A_298, %add3A_312 : vector<16xi32>
      tpu.vector_store_idx %arg9[%add3A_313], %add3A_293 : memref<10240xf32, #tpu.memory_space<vmem>>[vector<16xi32>], vector<16xf32>,
      %scan3A_314 = arith.constant 2 : i32
      %scan3A_315 = arith.addi %scan3A_259, %scan3A_314 : i32
      %mul3A_316 = arith.constant 16 : i32
      %mul3A_317 = arith.muli %scan3A_315, %mul3A_316 : i32
      %get3A_318 = arith.index_cast %mul3A_317 : i32 to index
      %get3A_319 = tpu.vector_load %arg8[%get3A_318] {strides = array<i32>} : memref<2048xf32, #tpu.memory_space<vmem>>, vector<16xf32>,
      %mul3A_320 = arith.mulf %mul3A_247, %get3A_319 : vector<16xf32>
      %add3A_321 = arith.addf %mul3A_320, %sub3A_250 : vector<16xf32>
      %add3A_322 = vector.broadcast %mul3A_317 : i32 to vector<16xi32>
      %add3A_323 = arith.addi %iota3A_251, %add3A_322 : vector<16xi32>
      %mul3A_324 = arith.constant 5 : i32
      %mul3A_325 = vector.broadcast %mul3A_324 : i32 to vector<16xi32>
      %mul3A_326 = arith.muli %add3A_323, %mul3A_325 : vector<16xi32>
      %add3A_327 = arith.constant 0 : i32
      %add3A_328 = vector.broadcast %add3A_327 : i32 to vector<16xi32>
      %add3A_329 = arith.addi %mul3A_326, %add3A_328 : vector<16xi32>
      tpu.vector_store_idx %arg9[%add3A_329], %add3A_321 : memref<10240xf32, #tpu.memory_space<vmem>>[vector<16xi32>], vector<16xf32>,
      %add3A_330 = arith.constant 1 : i32
      %add3A_331 = vector.broadcast %add3A_330 : i32 to vector<16xi32>
      %add3A_332 = arith.addi %mul3A_326, %add3A_331 : vector<16xi32>
      tpu.vector_store_idx %arg9[%add3A_332], %add3A_321 : memref<10240xf32, #tpu.memory_space<vmem>>[vector<16xi32>], vector<16xf32>,
      %add3A_333 = arith.constant 2 : i32
      %add3A_334 = vector.broadcast %add3A_333 : i32 to vector<16xi32>
      %add3A_335 = arith.addi %mul3A_326, %add3A_334 : vector<16xi32>
      tpu.vector_store_idx %arg9[%add3A_335], %add3A_321 : memref<10240xf32, #tpu.memory_space<vmem>>[vector<16xi32>], vector<16xf32>,
      %add3A_336 = arith.constant 3 : i32
      %add3A_337 = vector.broadcast %add3A_336 : i32 to vector<16xi32>
      %add3A_338 = arith.addi %mul3A_326, %add3A_337 : vector<16xi32>
      tpu.vector_store_idx %arg9[%add3A_338], %add3A_321 : memref<10240xf32, #tpu.memory_space<vmem>>[vector<16xi32>], vector<16xf32>,
      %add3A_339 = arith.constant 4 : i32
      %add3A_340 = vector.broadcast %add3A_339 : i32 to vector<16xi32>
      %add3A_341 = arith.addi %mul3A_326, %add3A_340 : vector<16xi32>
      tpu.vector_store_idx %arg9[%add3A_341], %add3A_321 : memref<10240xf32, #tpu.memory_space<vmem>>[vector<16xi32>], vector<16xf32>,
      %scan3A_342 = arith.constant 3 : i32
      %scan3A_343 = arith.addi %scan3A_259, %scan3A_342 : i32
      %mul3A_344 = arith.constant 16 : i32
      %mul3A_345 = arith.muli %scan3A_343, %mul3A_344 : i32
      %get3A_346 = arith.index_cast %mul3A_345 : i32 to index
      %get3A_347 = tpu.vector_load %arg8[%get3A_346] {strides = array<i32>} : memref<2048xf32, #tpu.memory_space<vmem>>, vector<16xf32>,
      %mul3A_348 = arith.mulf %mul3A_247, %get3A_347 : vector<16xf32>
      %add3A_349 = arith.addf %mul3A_348, %sub3A_250 : vector<16xf32>
      %add3A_350 = vector.broadcast %mul3A_345 : i32 to vector<16xi32>
      %add3A_351 = arith.addi %iota3A_251, %add3A_350 : vector<16xi32>
      %mul3A_352 = arith.constant 5 : i32
      %mul3A_353 = vector.broadcast %mul3A_352 : i32 to vector<16xi32>
      %mul3A_354 = arith.muli %add3A_351, %mul3A_353 : vector<16xi32>
      %add3A_355 = arith.constant 0 : i32
      %add3A_356 = vector.broadcast %add3A_355 : i32 to vector<16xi32>
      %add3A_357 = arith.addi %mul3A_354, %add3A_356 : vector<16xi32>
      tpu.vector_store_idx %arg9[%add3A_357], %add3A_349 : memref<10240xf32, #tpu.memory_space<vmem>>[vector<16xi32>], vector<16xf32>,
      %add3A_358 = arith.constant 1 : i32
      %add3A_359 = vector.broadcast %add3A_358 : i32 to vector<16xi32>
      %add3A_360 = arith.addi %mul3A_354, %add3A_359 : vector<16xi32>
      tpu.vector_store_idx %arg9[%add3A_360], %add3A_349 : memref<10240xf32, #tpu.memory_space<vmem>>[vector<16xi32>], vector<16xf32>,
      %add3A_361 = arith.constant 2 : i32
      %add3A_362 = vector.broadcast %add3A_361 : i32 to vector<16xi32>
      %add3A_363 = arith.addi %mul3A_354, %add3A_362 : vector<16xi32>
      tpu.vector_store_idx %arg9[%add3A_363], %add3A_349 : memref<10240xf32, #tpu.memory_space<vmem>>[vector<16xi32>], vector<16xf32>,
      %add3A_364 = arith.constant 3 : i32
      %add3A_365 = vector.broadcast %add3A_364 : i32 to vector<16xi32>
      %add3A_366 = arith.addi %mul3A_354, %add3A_365 : vector<16xi32>
      tpu.vector_store_idx %arg9[%add3A_366], %add3A_349 : memref<10240xf32, #tpu.memory_space<vmem>>[vector<16xi32>], vector<16xf32>,
      %add3A_367 = arith.constant 4 : i32
      %add3A_368 = vector.broadcast %add3A_367 : i32 to vector<16xi32>
      %add3A_369 = arith.addi %mul3A_354, %add3A_368 : vector<16xi32>
      tpu.vector_store_idx %arg9[%add3A_369], %add3A_349 : memref<10240xf32, #tpu.memory_space<vmem>>[vector<16xi32>], vector<16xf32>,
    }
    %scan3A_256 = arith.constant 128 : i32
    %mul3A_257 = arith.constant 10240 : i32
    %mul3A_258 = arith.muli %add3A, %mul3A_257 : i32
    "tpu.region"() ({
      %run_scoped3A = tpu.sem_alloc : memref<!tpu.dma_semaphore, #tpu.memory_space<semaphore_mem>>
      %dma_start3A = tpu.memref_slice %arg5[%mul3A_258] : memref<327680xf32, #tpu.memory_space<hbm>> -> memref<10240xf32, #tpu.memory_space<hbm>>
      %dma_start3A_259 = tpu.memref_slice %arg5[%mul3A_258] : memref<327680xf32, #tpu.memory_space<hbm>> -> memref<10240xf32, #tpu.memory_space<hbm>>
      tpu.enqueue_dma source(%arg9 : memref<10240xf32, #tpu.memory_space<vmem>>) target(%dma_start3A_259 : memref<10240xf32, #tpu.memory_space<hbm>>) target_semaphore(%run_scoped3A : memref<!tpu.dma_semaphore, #tpu.memory_space<semaphore_mem>>)
      %dma_wait3A = tpu.memref_slice %arg5[%mul3A_258] : memref<327680xf32, #tpu.memory_space<hbm>> -> memref<10240xf32, #tpu.memory_space<hbm>>
      %dma_wait3A_260 = tpu.memref_slice %arg5[%mul3A_258] : memref<327680xf32, #tpu.memory_space<hbm>> -> memref<10240xf32, #tpu.memory_space<hbm>>
      tpu.wait_dma2 semaphore(%run_scoped3A : memref<!tpu.dma_semaphore, #tpu.memory_space<semaphore_mem>>) src(%arg9 : memref<10240xf32, #tpu.memory_space<vmem>>) dst(%dma_wait3A_260 : memref<10240xf32, #tpu.memory_space<hbm>>)
      tpu.yield
    }) : () -> ()
    return
  }
}

module attributes {stable_mosaic.version = 14 : i64} {
  func.func @_decode_body(%arg0: memref<16x6x4096xf32, #tpu.memory_space<vmem>>, %arg1: memref<16x4096xi32, #tpu.memory_space<vmem>>) attributes {dimension_semantics = [], scalar_prefetch = 0 : i64, scratch_operands = 0 : i64, tpu.core_type = #tpu.core_type<tc>} {
    %get3A = arith.constant 0 : index
    %get3A_0 = arith.constant 0 : index
    %get3A_1 = arith.constant 0 : index
    %get3A_2 = vector.load %arg0[%get3A, %get3A_0, %get3A_1] : memref<16x6x4096xf32, #tpu.memory_space<vmem>>, vector<16x1x4096xf32>
    %get3A_3 = vector.shape_cast %get3A_2 : vector<16x1x4096xf32> to vector<16x4096xf32>
    %broadcast_in_dim3A = arith.constant 0 : i32
    %broadcast_in_dim3A_4 = vector.broadcast %broadcast_in_dim3A : i32 to vector<16x4096xi32>
    %get3A_5 = arith.constant 0 : index
    %get3A_6 = arith.constant 1 : index
    %get3A_7 = arith.constant 0 : index
    %get3A_8 = vector.load %arg0[%get3A_5, %get3A_6, %get3A_7] : memref<16x6x4096xf32, #tpu.memory_space<vmem>>, vector<16x1x4096xf32>
    %get3A_9 = vector.shape_cast %get3A_8 : vector<16x1x4096xf32> to vector<16x4096xf32>
    %gt3A = arith.cmpf ogt, %get3A_9, %get3A_3 : vector<16x4096xf32>
    %select_n3A = arith.select %gt3A, %get3A_9, %get3A_3 : vector<16x4096xi1>, vector<16x4096xf32>
    %jit3A = arith.constant 1 : i32
    %broadcast_in_dim3A_10 = vector.broadcast %jit3A : i32 to vector<16x4096xi32>
    %select_n3A_11 = arith.select %gt3A, %broadcast_in_dim3A_10, %broadcast_in_dim3A_4 : vector<16x4096xi1>, vector<16x4096xi32>
    %get3A_12 = arith.constant 0 : index
    %get3A_13 = arith.constant 2 : index
    %get3A_14 = arith.constant 0 : index
    %get3A_15 = vector.load %arg0[%get3A_12, %get3A_13, %get3A_14] : memref<16x6x4096xf32, #tpu.memory_space<vmem>>, vector<16x1x4096xf32>
    %get3A_16 = vector.shape_cast %get3A_15 : vector<16x1x4096xf32> to vector<16x4096xf32>
    %gt3A_17 = arith.cmpf ogt, %get3A_16, %select_n3A : vector<16x4096xf32>
    %select_n3A_18 = arith.select %gt3A_17, %get3A_16, %select_n3A : vector<16x4096xi1>, vector<16x4096xf32>
    %jit3A_19 = arith.constant 2 : i32
    %broadcast_in_dim3A_20 = vector.broadcast %jit3A_19 : i32 to vector<16x4096xi32>
    %select_n3A_21 = arith.select %gt3A_17, %broadcast_in_dim3A_20, %select_n3A_11 : vector<16x4096xi1>, vector<16x4096xi32>
    %get3A_22 = arith.constant 0 : index
    %get3A_23 = arith.constant 3 : index
    %get3A_24 = arith.constant 0 : index
    %get3A_25 = vector.load %arg0[%get3A_22, %get3A_23, %get3A_24] : memref<16x6x4096xf32, #tpu.memory_space<vmem>>, vector<16x1x4096xf32>
    %get3A_26 = vector.shape_cast %get3A_25 : vector<16x1x4096xf32> to vector<16x4096xf32>
    %gt3A_27 = arith.cmpf ogt, %get3A_26, %select_n3A_18 : vector<16x4096xf32>
    %select_n3A_28 = arith.select %gt3A_27, %get3A_26, %select_n3A_18 : vector<16x4096xi1>, vector<16x4096xf32>
    %jit3A_29 = arith.constant 3 : i32
    %broadcast_in_dim3A_30 = vector.broadcast %jit3A_29 : i32 to vector<16x4096xi32>
    %select_n3A_31 = arith.select %gt3A_27, %broadcast_in_dim3A_30, %select_n3A_21 : vector<16x4096xi1>, vector<16x4096xi32>
    %get3A_32 = arith.constant 0 : index
    %get3A_33 = arith.constant 4 : index
    %get3A_34 = arith.constant 0 : index
    %get3A_35 = vector.load %arg0[%get3A_32, %get3A_33, %get3A_34] : memref<16x6x4096xf32, #tpu.memory_space<vmem>>, vector<16x1x4096xf32>
    %get3A_36 = vector.shape_cast %get3A_35 : vector<16x1x4096xf32> to vector<16x4096xf32>
    %gt3A_37 = arith.cmpf ogt, %get3A_36, %select_n3A_28 : vector<16x4096xf32>
    %select_n3A_38 = arith.select %gt3A_37, %get3A_36, %select_n3A_28 : vector<16x4096xi1>, vector<16x4096xf32>
    %jit3A_39 = arith.constant 4 : i32
    %broadcast_in_dim3A_40 = vector.broadcast %jit3A_39 : i32 to vector<16x4096xi32>
    %select_n3A_41 = arith.select %gt3A_37, %broadcast_in_dim3A_40, %select_n3A_31 : vector<16x4096xi1>, vector<16x4096xi32>
    %get3A_42 = arith.constant 0 : index
    %get3A_43 = arith.constant 5 : index
    %get3A_44 = arith.constant 0 : index
    %get3A_45 = vector.load %arg0[%get3A_42, %get3A_43, %get3A_44] : memref<16x6x4096xf32, #tpu.memory_space<vmem>>, vector<16x1x4096xf32>
    %get3A_46 = vector.shape_cast %get3A_45 : vector<16x1x4096xf32> to vector<16x4096xf32>
    %gt3A_47 = arith.cmpf ogt, %get3A_46, %select_n3A_38 : vector<16x4096xf32>
    %jit3A_48 = arith.constant 5 : i32
    %broadcast_in_dim3A_49 = vector.broadcast %jit3A_48 : i32 to vector<16x4096xi32>
    %select_n3A_50 = arith.select %gt3A_47, %broadcast_in_dim3A_49, %select_n3A_41 : vector<16x4096xi1>, vector<16x4096xi32>
    %broadcast_in_dim3A_51 = arith.constant 0 : i32
    %broadcast_in_dim3A_52 = vector.broadcast %broadcast_in_dim3A_51 : i32 to vector<16x1xi32>
    %slice3A = vector.extract_strided_slice %select_n3A_50 {offsets = [0, 0], sizes = [16, 4095], strides = [1, 1]} : vector<16x4096xi32> to vector<16x4095xi32>
    %concatenate3A = tpu.concatenate %broadcast_in_dim3A_52, %slice3A in 1 : vector<16x1xi32>, vector<16x4095xi32> -> vector<16x4096xi32>
    %ne3A = arith.constant 0 : i32
    %ne3A_53 = vector.broadcast %ne3A : i32 to vector<16x4096xi32>
    %ne3A_54 = arith.cmpi ne, %select_n3A_50, %ne3A_53 : vector<16x4096xi32>
    %ne3A_55 = arith.cmpi ne, %select_n3A_50, %concatenate3A : vector<16x4096xi32>
    %and3A = arith.andi %ne3A_54, %ne3A_55 : vector<16x4096xi1>
    %jit3A_56 = arith.constant 1 : i32
    %jit3A_57 = arith.constant 0 : i32
    %broadcast_in_dim3A_58 = vector.broadcast %jit3A_56 : i32 to vector<16x4096xi32>
    %broadcast_in_dim3A_59 = vector.broadcast %jit3A_57 : i32 to vector<16x4096xi32>
    %select_n3A_60 = arith.select %and3A, %broadcast_in_dim3A_58, %broadcast_in_dim3A_59 : vector<16x4096xi1>, vector<16x4096xi32>
    %sub3A = arith.constant 1 : i32
    %sub3A_61 = vector.broadcast %sub3A : i32 to vector<16x4096xi32>
    %sub3A_62 = arith.subi %select_n3A_50, %sub3A_61 : vector<16x4096xi32>
    %jit3A_63 = arith.constant 0 : i32
    %broadcast_in_dim3A_64 = vector.broadcast %jit3A_63 : i32 to vector<16x4096xi32>
    %select_n3A_65 = arith.select %and3A, %sub3A_62, %broadcast_in_dim3A_64 : vector<16x4096xi1>, vector<16x4096xi32>
    %broadcast_in_dim3A_66 = arith.constant 0 : i32
    %broadcast_in_dim3A_67 = vector.broadcast %broadcast_in_dim3A_66 : i32 to vector<16x1xi32>
    %slice3A_68 = vector.extract_strided_slice %select_n3A_60 {offsets = [0, 0], sizes = [16, 4095], strides = [1, 1]} : vector<16x4096xi32> to vector<16x4095xi32>
    %concatenate3A_69 = tpu.concatenate %broadcast_in_dim3A_67, %slice3A_68 in 1 : vector<16x1xi32>, vector<16x4095xi32> -> vector<16x4096xi32>
    %slice3A_70 = vector.extract_strided_slice %select_n3A_65 {offsets = [0, 0], sizes = [16, 4095], strides = [1, 1]} : vector<16x4096xi32> to vector<16x4095xi32>
    %concatenate3A_71 = tpu.concatenate %broadcast_in_dim3A_67, %slice3A_70 in 1 : vector<16x1xi32>, vector<16x4095xi32> -> vector<16x4096xi32>
    %add3A = arith.addi %select_n3A_60, %select_n3A_60 : vector<16x4096xi32>
    %add3A_72 = arith.addi %add3A, %select_n3A_60 : vector<16x4096xi32>
    %shift_left3A = arith.shli %concatenate3A_71, %add3A_72 : vector<16x4096xi32>
    %or3A = arith.ori %shift_left3A, %select_n3A_65 : vector<16x4096xi32>
    %and3A_73 = arith.constant 511 : i32
    %and3A_74 = vector.broadcast %and3A_73 : i32 to vector<16x4096xi32>
    %and3A_75 = arith.andi %or3A, %and3A_74 : vector<16x4096xi32>
    %add3A_76 = arith.addi %concatenate3A_69, %select_n3A_60 : vector<16x4096xi32>
    %min3A = arith.constant 3 : i32
    %min3A_77 = vector.broadcast %min3A : i32 to vector<16x4096xi32>
    %min3A_78 = arith.minsi %add3A_76, %min3A_77 : vector<16x4096xi32>
    %broadcast_in_dim3A_79 = arith.constant 0 : i32
    %broadcast_in_dim3A_80 = vector.broadcast %broadcast_in_dim3A_79 : i32 to vector<16x2xi32>
    %slice3A_81 = vector.extract_strided_slice %min3A_78 {offsets = [0, 0], sizes = [16, 4094], strides = [1, 1]} : vector<16x4096xi32> to vector<16x4094xi32>
    %concatenate3A_82 = tpu.concatenate %broadcast_in_dim3A_80, %slice3A_81 in 1 : vector<16x2xi32>, vector<16x4094xi32> -> vector<16x4096xi32>
    %slice3A_83 = vector.extract_strided_slice %and3A_75 {offsets = [0, 0], sizes = [16, 4094], strides = [1, 1]} : vector<16x4096xi32> to vector<16x4094xi32>
    %concatenate3A_84 = tpu.concatenate %broadcast_in_dim3A_80, %slice3A_83 in 1 : vector<16x2xi32>, vector<16x4094xi32> -> vector<16x4096xi32>
    %add3A_85 = arith.addi %min3A_78, %min3A_78 : vector<16x4096xi32>
    %add3A_86 = arith.addi %add3A_85, %min3A_78 : vector<16x4096xi32>
    %shift_left3A_87 = arith.shli %concatenate3A_84, %add3A_86 : vector<16x4096xi32>
    %or3A_88 = arith.ori %shift_left3A_87, %and3A_75 : vector<16x4096xi32>
    %and3A_89 = arith.constant 511 : i32
    %and3A_90 = vector.broadcast %and3A_89 : i32 to vector<16x4096xi32>
    %and3A_91 = arith.andi %or3A_88, %and3A_90 : vector<16x4096xi32>
    %add3A_92 = arith.addi %concatenate3A_82, %min3A_78 : vector<16x4096xi32>
    %min3A_93 = arith.constant 3 : i32
    %min3A_94 = vector.broadcast %min3A_93 : i32 to vector<16x4096xi32>
    %min3A_95 = arith.minsi %add3A_92, %min3A_94 : vector<16x4096xi32>
    %broadcast_in_dim3A_96 = arith.constant 0 : i32
    %broadcast_in_dim3A_97 = vector.broadcast %broadcast_in_dim3A_96 : i32 to vector<16x4xi32>
    %slice3A_98 = vector.extract_strided_slice %min3A_95 {offsets = [0, 0], sizes = [16, 4092], strides = [1, 1]} : vector<16x4096xi32> to vector<16x4092xi32>
    %concatenate3A_99 = tpu.concatenate %broadcast_in_dim3A_97, %slice3A_98 in 1 : vector<16x4xi32>, vector<16x4092xi32> -> vector<16x4096xi32>
    %slice3A_100 = vector.extract_strided_slice %and3A_91 {offsets = [0, 0], sizes = [16, 4092], strides = [1, 1]} : vector<16x4096xi32> to vector<16x4092xi32>
    %concatenate3A_101 = tpu.concatenate %broadcast_in_dim3A_97, %slice3A_100 in 1 : vector<16x4xi32>, vector<16x4092xi32> -> vector<16x4096xi32>
    %add3A_102 = arith.addi %min3A_95, %min3A_95 : vector<16x4096xi32>
    %add3A_103 = arith.addi %add3A_102, %min3A_95 : vector<16x4096xi32>
    %shift_left3A_104 = arith.shli %concatenate3A_101, %add3A_103 : vector<16x4096xi32>
    %or3A_105 = arith.ori %shift_left3A_104, %and3A_91 : vector<16x4096xi32>
    %and3A_106 = arith.constant 511 : i32
    %and3A_107 = vector.broadcast %and3A_106 : i32 to vector<16x4096xi32>
    %and3A_108 = arith.andi %or3A_105, %and3A_107 : vector<16x4096xi32>
    %add3A_109 = arith.addi %concatenate3A_99, %min3A_95 : vector<16x4096xi32>
    %min3A_110 = arith.constant 3 : i32
    %min3A_111 = vector.broadcast %min3A_110 : i32 to vector<16x4096xi32>
    %min3A_112 = arith.minsi %add3A_109, %min3A_111 : vector<16x4096xi32>
    %broadcast_in_dim3A_113 = arith.constant 0 : i32
    %broadcast_in_dim3A_114 = vector.broadcast %broadcast_in_dim3A_113 : i32 to vector<16x8xi32>
    %slice3A_115 = vector.extract_strided_slice %min3A_112 {offsets = [0, 0], sizes = [16, 4088], strides = [1, 1]} : vector<16x4096xi32> to vector<16x4088xi32>
    %concatenate3A_116 = tpu.concatenate %broadcast_in_dim3A_114, %slice3A_115 in 1 : vector<16x8xi32>, vector<16x4088xi32> -> vector<16x4096xi32>
    %slice3A_117 = vector.extract_strided_slice %and3A_108 {offsets = [0, 0], sizes = [16, 4088], strides = [1, 1]} : vector<16x4096xi32> to vector<16x4088xi32>
    %concatenate3A_118 = tpu.concatenate %broadcast_in_dim3A_114, %slice3A_117 in 1 : vector<16x8xi32>, vector<16x4088xi32> -> vector<16x4096xi32>
    %add3A_119 = arith.addi %min3A_112, %min3A_112 : vector<16x4096xi32>
    %add3A_120 = arith.addi %add3A_119, %min3A_112 : vector<16x4096xi32>
    %shift_left3A_121 = arith.shli %concatenate3A_118, %add3A_120 : vector<16x4096xi32>
    %or3A_122 = arith.ori %shift_left3A_121, %and3A_108 : vector<16x4096xi32>
    %and3A_123 = arith.constant 511 : i32
    %and3A_124 = vector.broadcast %and3A_123 : i32 to vector<16x4096xi32>
    %and3A_125 = arith.andi %or3A_122, %and3A_124 : vector<16x4096xi32>
    %add3A_126 = arith.addi %concatenate3A_116, %min3A_112 : vector<16x4096xi32>
    %min3A_127 = arith.constant 3 : i32
    %min3A_128 = vector.broadcast %min3A_127 : i32 to vector<16x4096xi32>
    %min3A_129 = arith.minsi %add3A_126, %min3A_128 : vector<16x4096xi32>
    %broadcast_in_dim3A_130 = arith.constant 0 : i32
    %broadcast_in_dim3A_131 = vector.broadcast %broadcast_in_dim3A_130 : i32 to vector<16x16xi32>
    %slice3A_132 = vector.extract_strided_slice %min3A_129 {offsets = [0, 0], sizes = [16, 4080], strides = [1, 1]} : vector<16x4096xi32> to vector<16x4080xi32>
    %concatenate3A_133 = tpu.concatenate %broadcast_in_dim3A_131, %slice3A_132 in 1 : vector<16x16xi32>, vector<16x4080xi32> -> vector<16x4096xi32>
    %slice3A_134 = vector.extract_strided_slice %and3A_125 {offsets = [0, 0], sizes = [16, 4080], strides = [1, 1]} : vector<16x4096xi32> to vector<16x4080xi32>
    %concatenate3A_135 = tpu.concatenate %broadcast_in_dim3A_131, %slice3A_134 in 1 : vector<16x16xi32>, vector<16x4080xi32> -> vector<16x4096xi32>
    %add3A_136 = arith.addi %min3A_129, %min3A_129 : vector<16x4096xi32>
    %add3A_137 = arith.addi %add3A_136, %min3A_129 : vector<16x4096xi32>
    %shift_left3A_138 = arith.shli %concatenate3A_135, %add3A_137 : vector<16x4096xi32>
    %or3A_139 = arith.ori %shift_left3A_138, %and3A_125 : vector<16x4096xi32>
    %and3A_140 = arith.constant 511 : i32
    %and3A_141 = vector.broadcast %and3A_140 : i32 to vector<16x4096xi32>
    %and3A_142 = arith.andi %or3A_139, %and3A_141 : vector<16x4096xi32>
    %add3A_143 = arith.addi %concatenate3A_133, %min3A_129 : vector<16x4096xi32>
    %min3A_144 = arith.constant 3 : i32
    %min3A_145 = vector.broadcast %min3A_144 : i32 to vector<16x4096xi32>
    %min3A_146 = arith.minsi %add3A_143, %min3A_145 : vector<16x4096xi32>
    %broadcast_in_dim3A_147 = arith.constant 0 : i32
    %broadcast_in_dim3A_148 = vector.broadcast %broadcast_in_dim3A_147 : i32 to vector<16x32xi32>
    %slice3A_149 = vector.extract_strided_slice %min3A_146 {offsets = [0, 0], sizes = [16, 4064], strides = [1, 1]} : vector<16x4096xi32> to vector<16x4064xi32>
    %concatenate3A_150 = tpu.concatenate %broadcast_in_dim3A_148, %slice3A_149 in 1 : vector<16x32xi32>, vector<16x4064xi32> -> vector<16x4096xi32>
    %slice3A_151 = vector.extract_strided_slice %and3A_142 {offsets = [0, 0], sizes = [16, 4064], strides = [1, 1]} : vector<16x4096xi32> to vector<16x4064xi32>
    %concatenate3A_152 = tpu.concatenate %broadcast_in_dim3A_148, %slice3A_151 in 1 : vector<16x32xi32>, vector<16x4064xi32> -> vector<16x4096xi32>
    %add3A_153 = arith.addi %min3A_146, %min3A_146 : vector<16x4096xi32>
    %add3A_154 = arith.addi %add3A_153, %min3A_146 : vector<16x4096xi32>
    %shift_left3A_155 = arith.shli %concatenate3A_152, %add3A_154 : vector<16x4096xi32>
    %or3A_156 = arith.ori %shift_left3A_155, %and3A_142 : vector<16x4096xi32>
    %and3A_157 = arith.constant 511 : i32
    %and3A_158 = vector.broadcast %and3A_157 : i32 to vector<16x4096xi32>
    %and3A_159 = arith.andi %or3A_156, %and3A_158 : vector<16x4096xi32>
    %add3A_160 = arith.addi %concatenate3A_150, %min3A_146 : vector<16x4096xi32>
    %min3A_161 = arith.constant 3 : i32
    %min3A_162 = vector.broadcast %min3A_161 : i32 to vector<16x4096xi32>
    %min3A_163 = arith.minsi %add3A_160, %min3A_162 : vector<16x4096xi32>
    %broadcast_in_dim3A_164 = arith.constant 0 : i32
    %broadcast_in_dim3A_165 = vector.broadcast %broadcast_in_dim3A_164 : i32 to vector<16x64xi32>
    %slice3A_166 = vector.extract_strided_slice %min3A_163 {offsets = [0, 0], sizes = [16, 4032], strides = [1, 1]} : vector<16x4096xi32> to vector<16x4032xi32>
    %concatenate3A_167 = tpu.concatenate %broadcast_in_dim3A_165, %slice3A_166 in 1 : vector<16x64xi32>, vector<16x4032xi32> -> vector<16x4096xi32>
    %slice3A_168 = vector.extract_strided_slice %and3A_159 {offsets = [0, 0], sizes = [16, 4032], strides = [1, 1]} : vector<16x4096xi32> to vector<16x4032xi32>
    %concatenate3A_169 = tpu.concatenate %broadcast_in_dim3A_165, %slice3A_168 in 1 : vector<16x64xi32>, vector<16x4032xi32> -> vector<16x4096xi32>
    %add3A_170 = arith.addi %min3A_163, %min3A_163 : vector<16x4096xi32>
    %add3A_171 = arith.addi %add3A_170, %min3A_163 : vector<16x4096xi32>
    %shift_left3A_172 = arith.shli %concatenate3A_169, %add3A_171 : vector<16x4096xi32>
    %or3A_173 = arith.ori %shift_left3A_172, %and3A_159 : vector<16x4096xi32>
    %and3A_174 = arith.constant 511 : i32
    %and3A_175 = vector.broadcast %and3A_174 : i32 to vector<16x4096xi32>
    %and3A_176 = arith.andi %or3A_173, %and3A_175 : vector<16x4096xi32>
    %add3A_177 = arith.addi %concatenate3A_167, %min3A_163 : vector<16x4096xi32>
    %min3A_178 = arith.constant 3 : i32
    %min3A_179 = vector.broadcast %min3A_178 : i32 to vector<16x4096xi32>
    %min3A_180 = arith.minsi %add3A_177, %min3A_179 : vector<16x4096xi32>
    %broadcast_in_dim3A_181 = arith.constant 0 : i32
    %broadcast_in_dim3A_182 = vector.broadcast %broadcast_in_dim3A_181 : i32 to vector<16x128xi32>
    %slice3A_183 = vector.extract_strided_slice %min3A_180 {offsets = [0, 0], sizes = [16, 3968], strides = [1, 1]} : vector<16x4096xi32> to vector<16x3968xi32>
    %concatenate3A_184 = tpu.concatenate %broadcast_in_dim3A_182, %slice3A_183 in 1 : vector<16x128xi32>, vector<16x3968xi32> -> vector<16x4096xi32>
    %slice3A_185 = vector.extract_strided_slice %and3A_176 {offsets = [0, 0], sizes = [16, 3968], strides = [1, 1]} : vector<16x4096xi32> to vector<16x3968xi32>
    %concatenate3A_186 = tpu.concatenate %broadcast_in_dim3A_182, %slice3A_185 in 1 : vector<16x128xi32>, vector<16x3968xi32> -> vector<16x4096xi32>
    %add3A_187 = arith.addi %min3A_180, %min3A_180 : vector<16x4096xi32>
    %add3A_188 = arith.addi %add3A_187, %min3A_180 : vector<16x4096xi32>
    %shift_left3A_189 = arith.shli %concatenate3A_186, %add3A_188 : vector<16x4096xi32>
    %or3A_190 = arith.ori %shift_left3A_189, %and3A_176 : vector<16x4096xi32>
    %and3A_191 = arith.constant 511 : i32
    %and3A_192 = vector.broadcast %and3A_191 : i32 to vector<16x4096xi32>
    %and3A_193 = arith.andi %or3A_190, %and3A_192 : vector<16x4096xi32>
    %add3A_194 = arith.addi %concatenate3A_184, %min3A_180 : vector<16x4096xi32>
    %min3A_195 = arith.constant 3 : i32
    %min3A_196 = vector.broadcast %min3A_195 : i32 to vector<16x4096xi32>
    %min3A_197 = arith.minsi %add3A_194, %min3A_196 : vector<16x4096xi32>
    %broadcast_in_dim3A_198 = arith.constant 0 : i32
    %broadcast_in_dim3A_199 = vector.broadcast %broadcast_in_dim3A_198 : i32 to vector<16x256xi32>
    %slice3A_200 = vector.extract_strided_slice %min3A_197 {offsets = [0, 0], sizes = [16, 3840], strides = [1, 1]} : vector<16x4096xi32> to vector<16x3840xi32>
    %concatenate3A_201 = tpu.concatenate %broadcast_in_dim3A_199, %slice3A_200 in 1 : vector<16x256xi32>, vector<16x3840xi32> -> vector<16x4096xi32>
    %slice3A_202 = vector.extract_strided_slice %and3A_193 {offsets = [0, 0], sizes = [16, 3840], strides = [1, 1]} : vector<16x4096xi32> to vector<16x3840xi32>
    %concatenate3A_203 = tpu.concatenate %broadcast_in_dim3A_199, %slice3A_202 in 1 : vector<16x256xi32>, vector<16x3840xi32> -> vector<16x4096xi32>
    %add3A_204 = arith.addi %min3A_197, %min3A_197 : vector<16x4096xi32>
    %add3A_205 = arith.addi %add3A_204, %min3A_197 : vector<16x4096xi32>
    %shift_left3A_206 = arith.shli %concatenate3A_203, %add3A_205 : vector<16x4096xi32>
    %or3A_207 = arith.ori %shift_left3A_206, %and3A_193 : vector<16x4096xi32>
    %and3A_208 = arith.constant 511 : i32
    %and3A_209 = vector.broadcast %and3A_208 : i32 to vector<16x4096xi32>
    %and3A_210 = arith.andi %or3A_207, %and3A_209 : vector<16x4096xi32>
    %add3A_211 = arith.addi %concatenate3A_201, %min3A_197 : vector<16x4096xi32>
    %min3A_212 = arith.constant 3 : i32
    %min3A_213 = vector.broadcast %min3A_212 : i32 to vector<16x4096xi32>
    %min3A_214 = arith.minsi %add3A_211, %min3A_213 : vector<16x4096xi32>
    %broadcast_in_dim3A_215 = arith.constant 0 : i32
    %broadcast_in_dim3A_216 = vector.broadcast %broadcast_in_dim3A_215 : i32 to vector<16x512xi32>
    %slice3A_217 = vector.extract_strided_slice %min3A_214 {offsets = [0, 0], sizes = [16, 3584], strides = [1, 1]} : vector<16x4096xi32> to vector<16x3584xi32>
    %concatenate3A_218 = tpu.concatenate %broadcast_in_dim3A_216, %slice3A_217 in 1 : vector<16x512xi32>, vector<16x3584xi32> -> vector<16x4096xi32>
    %slice3A_219 = vector.extract_strided_slice %and3A_210 {offsets = [0, 0], sizes = [16, 3584], strides = [1, 1]} : vector<16x4096xi32> to vector<16x3584xi32>
    %concatenate3A_220 = tpu.concatenate %broadcast_in_dim3A_216, %slice3A_219 in 1 : vector<16x512xi32>, vector<16x3584xi32> -> vector<16x4096xi32>
    %add3A_221 = arith.addi %min3A_214, %min3A_214 : vector<16x4096xi32>
    %add3A_222 = arith.addi %add3A_221, %min3A_214 : vector<16x4096xi32>
    %shift_left3A_223 = arith.shli %concatenate3A_220, %add3A_222 : vector<16x4096xi32>
    %or3A_224 = arith.ori %shift_left3A_223, %and3A_210 : vector<16x4096xi32>
    %and3A_225 = arith.constant 511 : i32
    %and3A_226 = vector.broadcast %and3A_225 : i32 to vector<16x4096xi32>
    %and3A_227 = arith.andi %or3A_224, %and3A_226 : vector<16x4096xi32>
    %add3A_228 = arith.addi %concatenate3A_218, %min3A_214 : vector<16x4096xi32>
    %min3A_229 = arith.constant 3 : i32
    %min3A_230 = vector.broadcast %min3A_229 : i32 to vector<16x4096xi32>
    %min3A_231 = arith.minsi %add3A_228, %min3A_230 : vector<16x4096xi32>
    %broadcast_in_dim3A_232 = arith.constant 0 : i32
    %broadcast_in_dim3A_233 = vector.broadcast %broadcast_in_dim3A_232 : i32 to vector<16x1024xi32>
    %slice3A_234 = vector.extract_strided_slice %min3A_231 {offsets = [0, 0], sizes = [16, 3072], strides = [1, 1]} : vector<16x4096xi32> to vector<16x3072xi32>
    %concatenate3A_235 = tpu.concatenate %broadcast_in_dim3A_233, %slice3A_234 in 1 : vector<16x1024xi32>, vector<16x3072xi32> -> vector<16x4096xi32>
    %slice3A_236 = vector.extract_strided_slice %and3A_227 {offsets = [0, 0], sizes = [16, 3072], strides = [1, 1]} : vector<16x4096xi32> to vector<16x3072xi32>
    %concatenate3A_237 = tpu.concatenate %broadcast_in_dim3A_233, %slice3A_236 in 1 : vector<16x1024xi32>, vector<16x3072xi32> -> vector<16x4096xi32>
    %add3A_238 = arith.addi %min3A_231, %min3A_231 : vector<16x4096xi32>
    %add3A_239 = arith.addi %add3A_238, %min3A_231 : vector<16x4096xi32>
    %shift_left3A_240 = arith.shli %concatenate3A_237, %add3A_239 : vector<16x4096xi32>
    %or3A_241 = arith.ori %shift_left3A_240, %and3A_227 : vector<16x4096xi32>
    %and3A_242 = arith.constant 511 : i32
    %and3A_243 = vector.broadcast %and3A_242 : i32 to vector<16x4096xi32>
    %and3A_244 = arith.andi %or3A_241, %and3A_243 : vector<16x4096xi32>
    %add3A_245 = arith.addi %concatenate3A_235, %min3A_231 : vector<16x4096xi32>
    %min3A_246 = arith.constant 3 : i32
    %min3A_247 = vector.broadcast %min3A_246 : i32 to vector<16x4096xi32>
    %min3A_248 = arith.minsi %add3A_245, %min3A_247 : vector<16x4096xi32>
    %broadcast_in_dim3A_249 = arith.constant 0 : i32
    %broadcast_in_dim3A_250 = vector.broadcast %broadcast_in_dim3A_249 : i32 to vector<16x2048xi32>
    %slice3A_251 = vector.extract_strided_slice %min3A_248 {offsets = [0, 0], sizes = [16, 2048], strides = [1, 1]} : vector<16x4096xi32> to vector<16x2048xi32>
    %concatenate3A_252 = tpu.concatenate %broadcast_in_dim3A_250, %slice3A_251 in 1 : vector<16x2048xi32>, vector<16x2048xi32> -> vector<16x4096xi32>
    %slice3A_253 = vector.extract_strided_slice %and3A_244 {offsets = [0, 0], sizes = [16, 2048], strides = [1, 1]} : vector<16x4096xi32> to vector<16x2048xi32>
    %concatenate3A_254 = tpu.concatenate %broadcast_in_dim3A_250, %slice3A_253 in 1 : vector<16x2048xi32>, vector<16x2048xi32> -> vector<16x4096xi32>
    %add3A_255 = arith.addi %min3A_248, %min3A_248 : vector<16x4096xi32>
    %add3A_256 = arith.addi %add3A_255, %min3A_248 : vector<16x4096xi32>
    %shift_left3A_257 = arith.shli %concatenate3A_254, %add3A_256 : vector<16x4096xi32>
    %or3A_258 = arith.ori %shift_left3A_257, %and3A_244 : vector<16x4096xi32>
    %and3A_259 = arith.constant 511 : i32
    %and3A_260 = vector.broadcast %and3A_259 : i32 to vector<16x4096xi32>
    %and3A_261 = arith.andi %or3A_258, %and3A_260 : vector<16x4096xi32>
    %add3A_262 = arith.addi %concatenate3A_252, %min3A_248 : vector<16x4096xi32>
    %min3A_263 = arith.constant 3 : i32
    %min3A_264 = vector.broadcast %min3A_263 : i32 to vector<16x4096xi32>
    %min3A_265 = arith.minsi %add3A_262, %min3A_264 : vector<16x4096xi32>
    %shift_right_arithmetic3A = arith.constant 6 : i32
    %shift_right_arithmetic3A_266 = vector.broadcast %shift_right_arithmetic3A : i32 to vector<16x4096xi32>
    %shift_right_arithmetic3A_267 = arith.shrsi %and3A_261, %shift_right_arithmetic3A_266 : vector<16x4096xi32>
    %mul3A = arith.constant 25 : i32
    %mul3A_268 = vector.broadcast %mul3A : i32 to vector<16x4096xi32>
    %mul3A_269 = arith.muli %mul3A_268, %shift_right_arithmetic3A_267 : vector<16x4096xi32>
    %shift_right_arithmetic3A_270 = arith.constant 3 : i32
    %shift_right_arithmetic3A_271 = vector.broadcast %shift_right_arithmetic3A_270 : i32 to vector<16x4096xi32>
    %shift_right_arithmetic3A_272 = arith.shrsi %and3A_261, %shift_right_arithmetic3A_271 : vector<16x4096xi32>
    %and3A_273 = arith.constant 7 : i32
    %and3A_274 = vector.broadcast %and3A_273 : i32 to vector<16x4096xi32>
    %and3A_275 = arith.andi %shift_right_arithmetic3A_272, %and3A_274 : vector<16x4096xi32>
    %mul3A_276 = arith.constant 5 : i32
    %mul3A_277 = vector.broadcast %mul3A_276 : i32 to vector<16x4096xi32>
    %mul3A_278 = arith.muli %mul3A_277, %and3A_275 : vector<16x4096xi32>
    %add3A_279 = arith.addi %mul3A_269, %mul3A_278 : vector<16x4096xi32>
    %and3A_280 = arith.constant 7 : i32
    %and3A_281 = vector.broadcast %and3A_280 : i32 to vector<16x4096xi32>
    %and3A_282 = arith.andi %and3A_261, %and3A_281 : vector<16x4096xi32>
    %add3A_283 = arith.addi %add3A_279, %and3A_282 : vector<16x4096xi32>
    %lt3A = arith.constant 3 : i32
    %lt3A_284 = vector.broadcast %lt3A : i32 to vector<16x4096xi32>
    %lt3A_285 = arith.cmpi slt, %min3A_265, %lt3A_284 : vector<16x4096xi32>
    %add3A_286 = arith.constant 1 : i32
    %add3A_287 = vector.broadcast %add3A_286 : i32 to vector<16x4096xi32>
    %add3A_288 = arith.addi %add3A_283, %add3A_287 : vector<16x4096xi32>
    %jit3A_289 = arith.constant 0 : i32
    %broadcast_in_dim3A_290 = vector.broadcast %jit3A_289 : i32 to vector<16x4096xi32>
    %select_n3A_291 = arith.select %lt3A_285, %broadcast_in_dim3A_290, %add3A_288 : vector<16x4096xi1>, vector<16x4096xi32>
    %swap3A = arith.constant 0 : index
    %swap3A_292 = arith.constant 0 : index
    %swap3A_293 = vector.load %arg1[%swap3A, %swap3A_292] : memref<16x4096xi32, #tpu.memory_space<vmem>>, vector<16x4096xi32>
    tpu.vector_store %arg1[%swap3A, %swap3A_292], %select_n3A_291 {strides = array<i32>} : memref<16x4096xi32, #tpu.memory_space<vmem>>, vector<16x4096xi32>,
    return
  }
}

</mosaic_0001>

<sc_bundles>
// kernel: kernel.5.cloned.1.call-start
scs
__scs_entry_jumppad:
0x0: {  	(pc) =	sbr.rel $0x88, $3  }
0x1: {  	(tag) =	ssettag $0x0;
	lr =	simm.s32 $0x1  }
0x2: {  	[smem:$0x3F9D] =	sst lr;
	_ =	strace $0xD0000000  }
0x3: {  	_ = 	snop  }
0x4: {  	_ = 	snop  }
0x5: {  	_ = 	snop  }
0x6: {  	_ = 	snop  }
0x7: {  	_ = 	snop  }
__scs_overlays_trampoline_lowered:
0x8: {  	[smem:$0x3FAC] =	sst s0  }
0x9: {  	[smem:$0x3FAD] =	sst s1  }
0xa: {  	[smem:$0x3FAE] =	sst s2  }
0xb: {  	[smem:$0x3FAF] =	sst s3  }
0xc: {  	[smem:$0x3FB0] =	sst s4  }
0xd: {  	[smem:$0x3FB1] =	sst s5  }
0xe: {  	[smem:$0x3FB2] =	sst s6  }
0xf: {  	[smem:$0x3FB3] =	sst s7  }
0x10: {  	[smem:$0x3FB4] =	sst s8  }
0x11: {  	[smem:$0x3FB5] =	sst s9;
	s0 =	simm.s32 @!p0 $0x0  }
0x12: {  	s1 =	sld [smem:$0x3F9B];
	s0 =	simm.s32 @p0 $0x1  }
0x13: {  	[smem:$0x3FB6] =	sst s0;
	s0 =	simm.s32 @!p1 $0x0  }
0x14: {  	s2 =	sld [smem:$0x3F9A];
	s0 =	simm.s32 @p1 $0x1  }
0x15: {  	[smem:$0x3FB7] =	sst s0;
	s0 =	simm.s32 @!p2 $0x0  }
0x16: {  	s3 =	sld [smem:$0x3FDB];
	s0 =	simm.s32 @p2 $0x1  }
0x17: {  	s4 =	simm.s32 $0x1BF5;
	[smem:$0x3FB9] =	sst s0  }
0x18: {  	s0 =	sld [smem:$0x3F9C];
	_ =	swait.ge [sflag:s4], $0x0  }
0x19: {  	s7 =	sld [smem:$0x3F9D]  }
0x1a: {  	s8 =	sadd.s32 $0xFFFFE003, lr  }
0x1b: {  	s9 =	sadd.s32 $0xFFFFFEF7, lr;
	s5 =	simm.s32 $0xFFFFFFFF;
	p2 =	slt.u32 s8, $0xFFFFF086  }
0x1c: {  	p1 =	slt.u32 s9, $0xF7A;
	s5 =	simm.s32 @!p2 $0x0  }
0x1d: {  	s5 =	simm.s32 @p1 $0x1;
	p0 =	seq.s32 s7, s2  }
0x1e: {  	s7 =	smul.u32 @!p0 $0xF7A, s2;
	p2 =	seq.s32 @!p0 s5, $0x0  }
0x1f: {  	s9 =	smul.u32 $0xF7A, s1;
	s8 =	simm.s32 @!p0 $0x1BF5;
	p2 =	por !p2, p0  }
0x20: {  	[sflag:s8] =	ssyncset.s32 @!p0 $0xFFFFF086;
	s6 =	sadd.s32 @!p0 s3, s7;
	s7 =	simm.s32 @!p0 $0x108  }
0x21: {  	s3 =	sadd.s32 s3, s9;
	s6 =	sadd.s32 @!p0 $0x88, s6;
	s7 =	simm.s32 @p2 $0x1082  }
0x22: {  	[simem:s7], [sflag:s8] =	dma.local @!p0 [hbm:s6], $0xF7A  }
0x23: {  	s9 =	sor.u32 $0xD0000000, s2;
	s6 =	simm.s32 $0x108;
	_ =	swait.ge @!p0 [sflag:s8], $0x0  }
0x24: {  	s3 =	sadd.s32 $0x88, s3;
	s6 =	simm.s32 @!p1 $0x1082;
	[sflag:s4] =	ssyncset.s32 $0xFFFFF086  }
0x25: {  	[simem:s6], [sflag:s4] =	dma.local [hbm:s3], $0xF7A  }
0x26: {  	[smem:$0x3F9D] =	sst s1;
	(tag) =	ssettag s2;
	_ =	strace s9  }
0x27: {  	s1 =	sld [smem:$0x3FAD]  }
0x28: {  	s2 =	sld [smem:$0x3FAE]  }
0x29: {  	s4 =	sld [smem:$0x3FB0]  }
0x2a: {  	p0 =	seq.s32 s5, $0x0;
	s5 =	sld [smem:$0x3FB1]  }
0x2b: {  	s6 =	sld [smem:$0x3FB2]  }
0x2c: {  	s7 =	sld [smem:$0x3FB3]  }
0x2d: {  	s3 =	simm.s32 $0x108;
	s8 =	sld [smem:$0x3FB4]  }
0x2e: {  	s3 =	simm.s32 @!p0 $0x1082;
	s9 =	sld [smem:$0x3FB5]  }
0x2f: {  	lr =	sadd.s32 s0, s3;
	s0 =	sld [smem:$0x3FAC]  }
0x30: {  	s3 =	sld [smem:$0x3FAF]  }
0x31: {  	[smem:$0x3FB8] =	sst s10  }
0x32: {  	s10 =	sld [smem:$0x3FB6];
	_ =	sdelay $0x3  }
0x33: {  	p0 =	seq.s32 s10, $0x1;
	s10 =	sld [smem:$0x3FB8];
	_ =	sdelay $0x3  }
0x34: {  	[smem:$0x3FB8] =	sst s10  }
0x35: {  	s10 =	sld [smem:$0x3FB7];
	_ =	sdelay $0x3  }
0x36: {  	p1 =	seq.s32 s10, $0x1;
	s10 =	sld [smem:$0x3FB8];
	_ =	sdelay $0x3  }
0x37: {  	[smem:$0x3FB8] =	sst s10  }
0x38: {  	s10 =	sld [smem:$0x3FB9]  }
0x39: {  	_ = 	snop;
	(pc) =	sbr.ind lr, $3  }
0x3a: {  	_ = 	snop  }
0x3b: {  	_ = 	snop  }
0x3c: {  	p2 =	seq.s32 s10, $0x1;
	s10 =	sld [smem:$0x3FB8]  }
0x3d: {  	_ =	shalt  }
0x3e: {  	_ =	shalt  }
0x3f: {  	_ =	shalt  }
0x40: {  	_ =	shalt  }
0x41: {  	_ =	shalt  }
0x42: {  	_ =	shalt  }
0x43: {  	_ =	shalt  }
0x44: {  	_ =	shalt  }
0x45: {  	_ =	shalt  }
0x46: {  	_ =	shalt  }
0x47: {  	_ =	shalt  }
0x48: {  	_ =	shalt  }
0x49: {  	_ =	shalt  }
0x4a: {  	_ =	shalt  }
0x4b: {  	_ =	shalt  }
0x4c: {  	_ =	shalt  }
0x4d: {  	_ =	shalt  }
0x4e: {  	_ =	shalt  }
0x4f: {  	_ =	shalt  }
0x50: {  	_ =	shalt  }
0x51: {  	_ =	shalt  }
0x52: {  	_ =	shalt  }
0x53: {  	_ =	shalt  }
0x54: {  	_ =	shalt  }
0x55: {  	_ =	shalt  }
0x56: {  	_ =	shalt  }
0x57: {  	_ =	shalt  }
0x58: {  	_ =	shalt  }
0x59: {  	_ =	shalt  }
0x5a: {  	_ =	shalt  }
0x5b: {  	_ =	shalt  }
0x5c: {  	_ =	shalt  }
0x5d: {  	_ =	shalt  }
0x5e: {  	_ =	shalt  }
0x5f: {  	_ =	shalt  }
0x60: {  	_ =	shalt  }
0x61: {  	_ =	shalt  }
0x62: {  	_ =	shalt  }
0x63: {  	_ =	shalt  }
0x64: {  	_ =	shalt  }
0x65: {  	_ =	shalt  }
0x66: {  	_ =	shalt  }
0x67: {  	_ =	shalt  }
0x68: {  	_ =	shalt  }
0x69: {  	_ =	shalt  }
0x6a: {  	_ =	shalt  }
0x6b: {  	_ =	shalt  }
0x6c: {  	_ =	shalt  }
0x6d: {  	_ =	shalt  }
0x6e: {  	_ =	shalt  }
0x6f: {  	_ =	shalt  }
0x70: {  	_ =	shalt  }
0x71: {  	_ =	shalt  }
0x72: {  	_ =	shalt  }
0x73: {  	_ =	shalt  }
0x74: {  	_ =	shalt  }
0x75: {  	_ =	shalt  }
0x76: {  	_ =	shalt  }
0x77: {  	_ =	shalt  }
0x78: {  	_ =	shalt  }
0x79: {  	_ =	shalt  }
0x7a: {  	_ =	shalt  }
0x7b: {  	_ =	shalt  }
0x7c: {  	_ =	shalt  }
0x7d: {  	_ =	shalt  }
0x7e: {  	_ =	shalt  }
0x7f: {  	_ =	shalt  }
0x80: {  	_ =	shalt  }
0x81: {  	_ =	shalt  }
0x82: {  	_ =	shalt  }
0x83: {  	_ =	shalt  }
0x84: {  	_ =	shalt  }
0x85: {  	_ =	shalt  }
0x86: {  	_ =	shalt  }
0x87: {  	_ =	shalt  }
.Lfunc_end0:
.L_simem_size_0:
called_computation_lowered:
.L_overlay_start_0:
0x88: {  	s2 =	sld [smem:$0x3FD9]  }
0x89: {  	s3 =	sld [smem:$0x3FFE];
	_ =	sdelay $0x1  }
0x8a: {  	s1 =	srdreg.scid  }
0x8b: {  	s0 =	sand.u32 $0x1, s1  }
0x8c: {  	s17 =	sshll.u32 s0, $0xA;
	s2 =	sadd.s32 s3, s2  }
0x8d: {  	s2 =	sadd.s32 s2, s17  }
0x8e: {  	[smem:$0x3FC4] =	sst s2  }
0x8f: {  	_ = 	snop  }
0x90: {  	s2 =	sld [smem:$0x3FC8]  }
0x91: {  	s18 =	sld [smem:$0x3FD0];
	(tm) =	ssettm $0x1  }
0x92: {  	s4 =	sld [smem:$0x3FFB];
	_ =	sdelay $0x3  }
0x93: {  	_ =	strace s4  }
0x94: {  	s4 =	sld [smem:$0x3FFC];
	_ =	sdelay $0x3  }
0x95: {  	_ =	strace s4  }
0x96: {  	s4 =	sld [smem:$0x3FFD];
	_ =	sdelay $0x3  }
0x97: {  	_ =	strace s4  }
0x98: {  	_ =	strace $0x8FFFFFFF  }
0x99: {  	s19 =	sld [smem:$0x3FDB];
	_ =	sdelay $0x1  }
0x9a: {  	s5 =	simm.s32 $_scs_section_size  }
0x9b: {  	s6 =	simm.s32 $_size__tile_overlayer_lowered;
	s7 =	simm.s32 $_tile_overlayer_lowered  }
0x9c: {  	s22 =	simm.s32 $0x1BFF;
	s21 =	sshll.u32 s7, $0x1;
	s4 =	sadd.s32 s5, s19  }
0x9d: {  	s8 =	simm.s32 $0x0;
	s20 =	sshll.u32 s6, $0x1;
	s6 =	sadd.s32 s21, s4  }
0x9e: {  	[timem:s8], [sflag:s22] =	dma.local [hbm:s6], s20  }
0x9f: {  	_ =	swait.ge [sflag:s22], s20  }
0xa0: {  	s5 =	ssub.s32 $0x0, s20;
	[sflag:s22] =	ssyncset.done $0x0  }
0xa1: {  	[sflag:s22] =	ssyncadd.s32 s5;
	_ =	sdelay $0x1  }
0xa2: {  	s23 =	simm.s32 $0x1B8B  }
0xa3: {  	_ =	swait.ge [sflag:s23], $0x1  }
0xa4: {  	[sflag:s23] =	ssyncset.done $0x0  }
0xa5: {  	s25 =	simm.s32 $0x1B8E;
	s24 =	sld [smem:$0x3FFE];
	[sflag:s23] =	ssyncadd.s32 $0xFFFFFFFF  }
0xa6: {  	s26 =	simm.s32 $execute0_lowered;
	[smem:$0x3FD2] =	sst s25  }
0xa7: {  	s6 =	sshll.u32 s26, $0x1;
	_ =	strace $0x80000046;
	[dreg:$0x1] =	wrdreg $0xFFFFFFFF  }
0xa8: {  	s28 =	simm.s32 $_size_execute0_lowered;
	s4 =	sadd.s32 s4, s6;
	[dreg:$0x0] =	wrdreg $0x0  }
0xa9: {  	s6 =	sshll.u32 s28, $0x1;
	[dreg:$0x2] =	wrdreg s4  }
0xaa: {  	[dreg:$0x3] =	wrdreg s6  }
0xab: {  	[dreg:$0x4] =	wrdreg $0xC0  }
0xac: {  	_ =	task [dreg:s8], $0x5FFFF  }
0xad: {  	[dreg:$0x1] =	wrdreg $0xFFFFFFFF  }
0xae: {  	[dreg:$0x0] =	wrdreg $0x60  }
0xaf: {  	[dreg:$0x2] =	wrdreg s18  }
0xb0: {  	[dreg:$0x3] =	wrdreg s2  }
0xb1: {  	[dreg:$0x4] =	wrdreg s24  }
0xb2: {  	[dreg:$0x5] =	wrdreg $0x9  }
0xb3: {  	_ =	task.clear_ibuf [dreg:s8], $0x6FFFF;
	_ =	strace $0x90000046  }
0xb4: {  	s29 =	simm.s32 $0x9;
	_ =	strace $0x80000048  }
0xb5: {  	_ =	swait.ge [sflag:s29], $0x1  }
0xb6: {  	[sflag:s29] =	ssyncadd.s32 $0xFFFFFFFF  }
0xb7: {  	_ =	strace $0x90000048  }
0xb8: {  	_ =	sfence  }
0xb9: {  	s30 =	sld [smem:$0x0];
	_ =	sdelay $0x2  }
0xba: {  	s31 =	sshll.u32 s1, $0xD;
	s1 =	sshrl.u32 s1, $0x2  }
0xbb: {  	s3 =	sand.u32 $0x4000, s31;
	s1 =	sadd.s32 s1, s30  }
0xbc: {  	s0 =	sor.u32 s3, s0;
	s1 =	sshll.u32 s1, $0x11  }
0xbd: {  	s0 =	sor.u32 s1, s0  }
0xbe: {  	s0 =	sadd.s32 $0x8F2B, s0  }
0xbf: {  	[sflag:s0] =	ssyncadd.remote.s32 $0x1  }
0xc0: {  	_ =	sfence.sel $0xFFFF  }
0xc1: {  	[dreg:$0x0] =	wrdreg $0xFFFFFFFF;
	(pc) =	sbr.abs _section_cstart, $3  }
0xc2: {  	[dreg:$0x1] =	wrdreg $0xFFFFFFFF  }
0xc3: {  	_ =	task.clear_ibuf [dreg:s8], $0x2FFFF;
	_ =	strace $0x9FFFFFFF  }
0xc4: {  	(tm) =	ssettm $0x7FFFFFFF  }
0xc5: {  	_ =	shalt  }
tec
execute0_lowered:
.L_overlay_start_1:
0x0: {  	(tag) =	ssettag $0x1  }
0x1: {  	s1 =	srdreg.scid  }
0x2: {  	s0 =	stileid.u32;
	s6 =	rddreg [dreg:$0x0]  }
0x3: {  	s2 =	rddreg [dreg:$0x1];
	s4 =	sand.u32 $0x1, s1;
	s29 =	sshll.u32 s0, $0x1  }
0x4: {  	s7 =	rddreg [dreg:$0x2];
	s8 =	simm.s32 $0x1;
	s5 =	sor.u32 s4, s29  }
0x5: {  	s3 =	simm.s32 $0x0;
	p1 =	seq.s32 s4, $0x1;
	p0 =	seq.s32 s5, $0x0  }
0x6: {  	s12 =	simm.s32 $0x900;
	s13 =	simm.s32 $0x1100;
	p0 =	por !p0, !p1  }
0x7: {  	s14 =	simm.s32 $0x0;
	[smem:$0x7FF] =	sst s3;
	p0 =	por !p0, !p0  }
0x8: {  	s1 =	rddreg [dreg:$0x3];
	_ =	strace $0x80000047;
	s8 =	simm.s32 @!p0 $0x0  }
0x9: {  	s11 =	sshll.u32 s4, $0xE;
	s4 =	ssub.s32 $0x2, s4;
	s8 =	ssub.s32 s0, s8  }
0xa: {  	s9 =	sshll.u32 s5, $0x8;
	s5 =	sshll.u32 s5, $0x4;
	s10 =	sshll.u32 s8, $0xC  }
0xb: {  	s30 =	sshrl.u32 s4, $0x1;
	s8 =	sshll.u32 s8, $0x7;
	s10 =	sand.u32 $0xFFFF8000, s10  }
0xc: {  	s9 =	sadd.s32 s9, s7;
	s8 =	sand.u32 $0x380, s8;
	s10 =	sor.u32 s11, s10  }
0xd: {  	s7 =	sadd.s32 s5, s7;
	s31 =	ssub.s32 s4, s30;
	s8 =	sor.u32 s8, s10  }
0xe: {  	s4 =	simm.s32 $0x1;
	s7 =	sadd.s32 $0x2E00, s7;
	s8 =	sshrl.u32 s8, $0x3  }
0xf: {  	s11 =	simm.s32 $0x100;
	s10 =	simm.s32 $0x400;
	s5 =	sadd.s32 s6, s8  }
0x10: {  	vm0 =	vcmask $0x704;
	vm1 =	vcmask $0x3F04;
	s6 =	sadd.s32 $0xE00, s9;
	s8 =	smax.u32 s31, $0x1;
	s9 =	simm.s32 $0x80  }
.LBB2_1:
0x11: {  	[tilespmem:s3], [sflag:$0x1] =	stream.linear.gather [hbm4b:s2+s3], $0x100, $0x38;
	[tilespmem:$0x1180] =	vst v63  }
0x12: {  	_ =	swait.ge [sflag:s4], $0x100  }
0x13: {  	[sflag:s4] =	ssyncset.done $0x0  }
0x14: {  	[sflag:s4] =	ssyncadd.s32 $0xFFFFFF00  }
0x15: {  	[tilespmem:s11], [sflag:$0x1] =	stream.strided.gather [hbm4b:s5+s9], $0x800, s10, s9, $0x38;
	[tilespmem:$0x1180] =	vst v63  }
0x16: {  	_ =	swait.ge [sflag:s4], $0x800  }
0x17: {  	s15 =	simm.s32 $0xFFFFFFF8;
	[sflag:s4] =	ssyncset.done $0x0  }
0x18: {  	v0 =	vimm.f32 $0.0e+00;
	s16 =	simm.s32 $0x140;
	s17 =	simm.s32 $0x940;
	v1 =	vimm.f32 $0.0e+00;
	[sflag:s4] =	ssyncadd.s32 $0xFFFFF800  }
.LBB2_2:
0x19: {  	v2 =	vld [tilespmem:s16+$0xFFFFFFC0];
	_ =	sdelay $0x7  }
0x1a: {  	v2 =	vld.idx.msk [tilespmem:v2+s3+$0x0], $0xffff;
	_ =	sdelay $0x4  }
0x1b: {  	[tilespmem:s17+$0xFFFFFFC0] =	vst v2  }
0x1c: {  	v3 =	vld [tilespmem:s16+$0xFFFFFFD0];
	_ =	sdelay $0x7  }
0x1d: {  	v3 =	vld.idx.msk [tilespmem:v3+s3+$0x0], $0xffff;
	_ =	sdelay $0x4  }
0x1e: {  	[tilespmem:s17+$0xFFFFFFD0] =	vst v3  }
0x1f: {  	v4 =	vld [tilespmem:s16+$0xFFFFFFE0];
	_ =	sdelay $0x7  }
0x20: {  	v4 =	vld.idx.msk [tilespmem:v4+s3+$0x0], $0xffff;
	_ =	sdelay $0x4  }
0x21: {  	[tilespmem:s17+$0xFFFFFFE0] =	vst v4  }
0x22: {  	v5 =	vld [tilespmem:s16+$0xFFFFFFF0];
	_ =	sdelay $0x7  }
0x23: {  	v5 =	vld.idx.msk [tilespmem:v5+s3+$0x0], $0xffff;
	_ =	sdelay $0x4  }
0x24: {  	[tilespmem:s17+$0xFFFFFFF0] =	vst v5  }
0x25: {  	v6 =	vld [tilespmem:s16+$0x0];
	_ =	sdelay $0x7  }
0x26: {  	v6 =	vld.idx.msk [tilespmem:v6+s3+$0x0], $0xffff;
	_ =	sdelay $0x4  }
0x27: {  	[tilespmem:s17+$0x0] =	vst v6  }
0x28: {  	v7 =	vld [tilespmem:s16+$0x10];
	_ =	sdelay $0x7  }
0x29: {  	v7 =	vld.idx.msk [tilespmem:v7+s3+$0x0], $0xffff;
	_ =	sdelay $0x4  }
0x2a: {  	[tilespmem:s17+$0x10] =	vst v7  }
0x2b: {  	v8 =	vld [tilespmem:s16+$0x20];
	_ =	sdelay $0x7  }
0x2c: {  	v8 =	vld.idx.msk [tilespmem:v8+s3+$0x0], $0xffff;
	_ =	sdelay $0x4  }
0x2d: {  	v9 =	vmul.f32 v2, v2;
	[tilespmem:s17+$0x20] =	vst v8  }
0x2e: {  	v10 =	vld [tilespmem:s16+$0x30]  }
0x2f: {  	v1 =	vadd.f32 v2, v1;
	v0 =	vadd.f32 v9, v0;
	v2 =	vmul.f32 v3, v3;
	_ =	sdelay $0x1  }
0x30: {  	v1 =	vadd.f32 v3, v1;
	v0 =	vadd.f32 v2, v0;
	v2 =	vmul.f32 v4, v4;
	_ =	sdelay $0x1  }
0x31: {  	v1 =	vadd.f32 v4, v1;
	v0 =	vadd.f32 v2, v0;
	v2 =	vmul.f32 v5, v5;
	_ =	sdelay $0x1  }
0x32: {  	v1 =	vadd.f32 v5, v1;
	v0 =	vadd.f32 v2, v0;
	v2 =	vmul.f32 v6, v6  }
0x33: {  	v3 =	vld.idx.msk [tilespmem:v10+s3+$0x0], $0xffff  }
0x34: {  	s15 =	sadd.s32 $0x8, s15;
	v1 =	vadd.f32 v6, v1;
	v0 =	vadd.f32 v2, v0;
	v2 =	vmul.f32 v7, v7  }
0x35: {  	p0 =	slt.u32 s15, $0x78  }
.Ltmp0:
0x36: {  	v1 =	vadd.f32 v7, v1;
	v0 =	vadd.f32 v2, v0;
	v2 =	vmul.f32 v8, v8;
	(pc) =	sbr.rel @p0 .LBB2_2-.Ltmp0, $3  }
0x37: {  	_ = 	snop  }
0x38: {  	v1 =	vadd.f32 v8, v1;
	v0 =	vadd.f32 v2, v0;
	v2 =	vmul.f32 v3, v3;
	_ =	sdelay $0x1  }
0x39: {  	s16 =	sadd.s32 $0x80, s16;
	[tilespmem:s17+$0x30] =	vst v3;
	v1 =	vadd.f32 v3, v1;
	s17 =	sadd.s32 $0x80, s17;
	v0 =	vadd.f32 v2, v0  }
0x3a: {  	_ = 	snop  }
0x3b: {  	(xrf2) =	vadd.scan.msk.f32 $0xffff, v1  }
0x3c: {  	(xrf2) =	vadd.scan.msk.f32 $0xffff, v0;
	_ =	sdelay $0x8  }
0x3d: {  	v62, _, _ =	vpop (xrf2)  }
0x3e: {  	v63, _, _ =	vpop (xrf2)  }
0x3f: {  	v1 =	vbroadcast v63, $0xF  }
0x40: {  	v0 =	vbroadcast v62, $0xF  }
0x41: {  	v1 =	vnsel vm0, $0x0, v1  }
0x42: {  	v0 =	vsel vm1, v1, v0  }
0x43: {  	[tilespmem:$0x1100] =	vst v0  }
0x44: {  	[hbm4b:s6+s3] =	stream.linear.scatter [tilespmem:s12], [sflag:$0x1], $0x800, $0x38;
	[tilespmem:$0x1180] =	vst v63  }
0x45: {  	s14 =	sadd.s32 $0x1, s14;
	_ =	swait.ge [sflag:s4], $0x800  }
0x46: {  	p0 =	sne.s32 s14, s8;
	[sflag:s4] =	ssyncset.done $0x0  }
.Ltmp1:
0x47: {  	[sflag:s4] =	ssyncadd.s32 $0xFFFFF800;
	(pc) =	sbr.rel @p0 .LBB2_1-.Ltmp1, $4  }
0x48: {  	[hbm4b:s7+s3] =	stream.linear.scatter [tilespmem:s13], [sflag:$0x1], $0x80, $0x38;
	[tilespmem:$0x1180] =	vst v63  }
0x49: {  	_ =	swait.ge [sflag:s4], $0x80  }
0x4a: {  	[sflag:s4] =	ssyncset.done $0x0  }
0x4b: {  	[sflag:s4] =	ssyncadd.s32 $0xFFFFFF80  }
0x4c: {  	_ =	sfence.sel $0x180000  }
0x4d: {  	[bflag:$0x0] =	sbarrier.arrive $0xFFFF  }
0x4e: {  	p0 =	sne.s32 s0, $0x0;
	_ =	strace $0x90000047  }
0x4f: {  	s0 =	sadd.s32 @!p0 $0x100000, s1;
	[bflag:$0x2] =	sbarrier.arrive $0xFFFF  }
0x50: {  	[sflag:s0] =	ssyncadd.tile.s32 @!p0 $0x1;
	_ =	shalt  }
.Lfunc_end2:
_tile_overlayer_lowered:
.L_overlay_start_2:
0x51: {  	(tag) =	ssettag $0x2  }
0x52: {  	s0 =	rddreg [dreg:$0x0];
	s2 =	stileid.u32  }
0x53: {  	s1 =	rddreg [dreg:$0x1];
	p0 =	sne.s32 s2, $0x0  }
0x54: {  	s3 =	rddreg [dreg:$0x2];
	[bflag:$0x3] =	sbarrier.arrive $0xFFFF;
	s2 =	simm.s32 @!p0 $0x1C01  }
0x55: {  	[timem:s3], [sflag:s2] =	dma.local @!p0 [hbm:s0], s1  }
0x56: {  	s0 =	simm.s32 @!p0 $0x1  }
0x57: {  	_ =	swait.ge @!p0 [sflag:s0], s1  }
0x58: {  	s1 =	ssub.s32 @!p0 $0x0, s1;
	[sflag:s0] =	ssyncset.done @!p0 $0x0  }
0x59: {  	[sflag:s0] =	ssyncadd.s32 @!p0 s1  }
0x5a: {  	[bflag:$0x3] =	sbarrier.arrive $0xFFFF  }
0x5b: {  	_ =	shalt  }

// kernel: kernel.8.cloned.1.call-start
scs
__scs_entry_jumppad:
0x0: {  	(pc) =	sbr.rel $0x88, $3  }
0x1: {  	(tag) =	ssettag $0x0;
	lr =	simm.s32 $0x1  }
0x2: {  	[smem:$0x3F9D] =	sst lr;
	_ =	strace $0xD0000000  }
0x3: {  	_ = 	snop  }
0x4: {  	_ = 	snop  }
0x5: {  	_ = 	snop  }
0x6: {  	_ = 	snop  }
0x7: {  	_ = 	snop  }
__scs_overlays_trampoline_lowered:
0x8: {  	[smem:$0x3FAC] =	sst s0  }
0x9: {  	[smem:$0x3FAD] =	sst s1  }
0xa: {  	[smem:$0x3FAE] =	sst s2  }
0xb: {  	[smem:$0x3FAF] =	sst s3  }
0xc: {  	[smem:$0x3FB0] =	sst s4  }
0xd: {  	[smem:$0x3FB1] =	sst s5  }
0xe: {  	[smem:$0x3FB2] =	sst s6  }
0xf: {  	[smem:$0x3FB3] =	sst s7  }
0x10: {  	[smem:$0x3FB4] =	sst s8  }
0x11: {  	[smem:$0x3FB5] =	sst s9;
	s0 =	simm.s32 @!p0 $0x0  }
0x12: {  	s1 =	sld [smem:$0x3F9B];
	s0 =	simm.s32 @p0 $0x1  }
0x13: {  	[smem:$0x3FB6] =	sst s0;
	s0 =	simm.s32 @!p1 $0x0  }
0x14: {  	s2 =	sld [smem:$0x3F9A];
	s0 =	simm.s32 @p1 $0x1  }
0x15: {  	[smem:$0x3FB7] =	sst s0;
	s0 =	simm.s32 @!p2 $0x0  }
0x16: {  	s3 =	sld [smem:$0x3FDB];
	s0 =	simm.s32 @p2 $0x1  }
0x17: {  	s4 =	simm.s32 $0x1BF5;
	[smem:$0x3FB9] =	sst s0  }
0x18: {  	s0 =	sld [smem:$0x3F9C];
	_ =	swait.ge [sflag:s4], $0x0  }
0x19: {  	s7 =	sld [smem:$0x3F9D]  }
0x1a: {  	s8 =	sadd.s32 $0xFFFFE003, lr  }
0x1b: {  	s9 =	sadd.s32 $0xFFFFFEF7, lr;
	s5 =	simm.s32 $0xFFFFFFFF;
	p2 =	slt.u32 s8, $0xFFFFF086  }
0x1c: {  	p1 =	slt.u32 s9, $0xF7A;
	s5 =	simm.s32 @!p2 $0x0  }
0x1d: {  	s5 =	simm.s32 @p1 $0x1;
	p0 =	seq.s32 s7, s2  }
0x1e: {  	s7 =	smul.u32 @!p0 $0xF7A, s2;
	p2 =	seq.s32 @!p0 s5, $0x0  }
0x1f: {  	s9 =	smul.u32 $0xF7A, s1;
	s8 =	simm.s32 @!p0 $0x1BF5;
	p2 =	por !p2, p0  }
0x20: {  	[sflag:s8] =	ssyncset.s32 @!p0 $0xFFFFF086;
	s6 =	sadd.s32 @!p0 s3, s7;
	s7 =	simm.s32 @!p0 $0x108  }
0x21: {  	s3 =	sadd.s32 s3, s9;
	s6 =	sadd.s32 @!p0 $0x88, s6;
	s7 =	simm.s32 @p2 $0x1082  }
0x22: {  	[simem:s7], [sflag:s8] =	dma.local @!p0 [hbm:s6], $0xF7A  }
0x23: {  	s9 =	sor.u32 $0xD0000000, s2;
	s6 =	simm.s32 $0x108;
	_ =	swait.ge @!p0 [sflag:s8], $0x0  }
0x24: {  	s3 =	sadd.s32 $0x88, s3;
	s6 =	simm.s32 @!p1 $0x1082;
	[sflag:s4] =	ssyncset.s32 $0xFFFFF086  }
0x25: {  	[simem:s6], [sflag:s4] =	dma.local [hbm:s3], $0xF7A  }
0x26: {  	[smem:$0x3F9D] =	sst s1;
	(tag) =	ssettag s2;
	_ =	strace s9  }
0x27: {  	s1 =	sld [smem:$0x3FAD]  }
0x28: {  	s2 =	sld [smem:$0x3FAE]  }
0x29: {  	s4 =	sld [smem:$0x3FB0]  }
0x2a: {  	p0 =	seq.s32 s5, $0x0;
	s5 =	sld [smem:$0x3FB1]  }
0x2b: {  	s6 =	sld [smem:$0x3FB2]  }
0x2c: {  	s7 =	sld [smem:$0x3FB3]  }
0x2d: {  	s3 =	simm.s32 $0x108;
	s8 =	sld [smem:$0x3FB4]  }
0x2e: {  	s3 =	simm.s32 @!p0 $0x1082;
	s9 =	sld [smem:$0x3FB5]  }
0x2f: {  	lr =	sadd.s32 s0, s3;
	s0 =	sld [smem:$0x3FAC]  }
0x30: {  	s3 =	sld [smem:$0x3FAF]  }
0x31: {  	[smem:$0x3FB8] =	sst s10  }
0x32: {  	s10 =	sld [smem:$0x3FB6];
	_ =	sdelay $0x3  }
0x33: {  	p0 =	seq.s32 s10, $0x1;
	s10 =	sld [smem:$0x3FB8];
	_ =	sdelay $0x3  }
0x34: {  	[smem:$0x3FB8] =	sst s10  }
0x35: {  	s10 =	sld [smem:$0x3FB7];
	_ =	sdelay $0x3  }
0x36: {  	p1 =	seq.s32 s10, $0x1;
	s10 =	sld [smem:$0x3FB8];
	_ =	sdelay $0x3  }
0x37: {  	[smem:$0x3FB8] =	sst s10  }
0x38: {  	s10 =	sld [smem:$0x3FB9]  }
0x39: {  	_ = 	snop;
	(pc) =	sbr.ind lr, $3  }
0x3a: {  	_ = 	snop  }
0x3b: {  	_ = 	snop  }
0x3c: {  	p2 =	seq.s32 s10, $0x1;
	s10 =	sld [smem:$0x3FB8]  }
0x3d: {  	_ =	shalt  }
0x3e: {  	_ =	shalt  }
0x3f: {  	_ =	shalt  }
0x40: {  	_ =	shalt  }
0x41: {  	_ =	shalt  }
0x42: {  	_ =	shalt  }
0x43: {  	_ =	shalt  }
0x44: {  	_ =	shalt  }
0x45: {  	_ =	shalt  }
0x46: {  	_ =	shalt  }
0x47: {  	_ =	shalt  }
0x48: {  	_ =	shalt  }
0x49: {  	_ =	shalt  }
0x4a: {  	_ =	shalt  }
0x4b: {  	_ =	shalt  }
0x4c: {  	_ =	shalt  }
0x4d: {  	_ =	shalt  }
0x4e: {  	_ =	shalt  }
0x4f: {  	_ =	shalt  }
0x50: {  	_ =	shalt  }
0x51: {  	_ =	shalt  }
0x52: {  	_ =	shalt  }
0x53: {  	_ =	shalt  }
0x54: {  	_ =	shalt  }
0x55: {  	_ =	shalt  }
0x56: {  	_ =	shalt  }
0x57: {  	_ =	shalt  }
0x58: {  	_ =	shalt  }
0x59: {  	_ =	shalt  }
0x5a: {  	_ =	shalt  }
0x5b: {  	_ =	shalt  }
0x5c: {  	_ =	shalt  }
0x5d: {  	_ =	shalt  }
0x5e: {  	_ =	shalt  }
0x5f: {  	_ =	shalt  }
0x60: {  	_ =	shalt  }
0x61: {  	_ =	shalt  }
0x62: {  	_ =	shalt  }
0x63: {  	_ =	shalt  }
0x64: {  	_ =	shalt  }
0x65: {  	_ =	shalt  }
0x66: {  	_ =	shalt  }
0x67: {  	_ =	shalt  }
0x68: {  	_ =	shalt  }
0x69: {  	_ =	shalt  }
0x6a: {  	_ =	shalt  }
0x6b: {  	_ =	shalt  }
0x6c: {  	_ =	shalt  }
0x6d: {  	_ =	shalt  }
0x6e: {  	_ =	shalt  }
0x6f: {  	_ =	shalt  }
0x70: {  	_ =	shalt  }
0x71: {  	_ =	shalt  }
0x72: {  	_ =	shalt  }
0x73: {  	_ =	shalt  }
0x74: {  	_ =	shalt  }
0x75: {  	_ =	shalt  }
0x76: {  	_ =	shalt  }
0x77: {  	_ =	shalt  }
0x78: {  	_ =	shalt  }
0x79: {  	_ =	shalt  }
0x7a: {  	_ =	shalt  }
0x7b: {  	_ =	shalt  }
0x7c: {  	_ =	shalt  }
0x7d: {  	_ =	shalt  }
0x7e: {  	_ =	shalt  }
0x7f: {  	_ =	shalt  }
0x80: {  	_ =	shalt  }
0x81: {  	_ =	shalt  }
0x82: {  	_ =	shalt  }
0x83: {  	_ =	shalt  }
0x84: {  	_ =	shalt  }
0x85: {  	_ =	shalt  }
0x86: {  	_ =	shalt  }
0x87: {  	_ =	shalt  }
.Lfunc_end0:
.L_simem_size_0:
called_computation.1_lowered:
.L_overlay_start_0:
0x88: {  	s2 =	sld [smem:$0x3FD9]  }
0x89: {  	s3 =	sld [smem:$0x3FFE];
	_ =	sdelay $0x1  }
0x8a: {  	s1 =	srdreg.scid  }
0x8b: {  	s0 =	sand.u32 $0x1, s1  }
0x8c: {  	s17 =	sshll.u32 s0, $0xA;
	s2 =	sadd.s32 s3, s2  }
0x8d: {  	s2 =	sadd.s32 s2, s17  }
0x8e: {  	[smem:$0x3FC4] =	sst s2  }
0x8f: {  	_ = 	snop  }
0x90: {  	s2 =	sld [smem:$0x3FD0];
	(tm) =	ssettm $0x1  }
0x91: {  	s18 =	sld [smem:$0x3FFB];
	_ =	sdelay $0x3  }
0x92: {  	_ =	strace s18  }
0x93: {  	s3 =	sld [smem:$0x3FFC];
	_ =	sdelay $0x3  }
0x94: {  	_ =	strace s3  }
0x95: {  	s3 =	sld [smem:$0x3FFD];
	_ =	sdelay $0x3  }
0x96: {  	_ =	strace s3  }
0x97: {  	_ =	strace $0x8FFFFFFF  }
0x98: {  	s19 =	sld [smem:$0x3FDB];
	_ =	sdelay $0x1  }
0x99: {  	s4 =	simm.s32 $_scs_section_size  }
0x9a: {  	s5 =	simm.s32 $_size__tile_overlayer_lowered;
	s6 =	simm.s32 $_tile_overlayer_lowered  }
0x9b: {  	s22 =	simm.s32 $0x1BFF;
	s21 =	sshll.u32 s6, $0x1;
	s3 =	sadd.s32 s4, s19  }
0x9c: {  	s7 =	simm.s32 $0x0;
	s20 =	sshll.u32 s5, $0x1;
	s5 =	sadd.s32 s21, s3  }
0x9d: {  	[timem:s7], [sflag:s22] =	dma.local [hbm:s5], s20  }
0x9e: {  	_ =	swait.ge [sflag:s22], s20  }
0x9f: {  	s4 =	ssub.s32 $0x0, s20;
	[sflag:s22] =	ssyncset.done $0x0  }
0xa0: {  	[sflag:s22] =	ssyncadd.s32 s4;
	_ =	sdelay $0x1  }
0xa1: {  	s23 =	simm.s32 $0x1B8B  }
0xa2: {  	_ =	swait.ge [sflag:s23], $0x1  }
0xa3: {  	[sflag:s23] =	ssyncset.done $0x0  }
0xa4: {  	s25 =	simm.s32 $0x1B8E;
	s24 =	sld [smem:$0x3FFE];
	[sflag:s23] =	ssyncadd.s32 $0xFFFFFFFF  }
0xa5: {  	s26 =	simm.s32 $execute0_lowered;
	[smem:$0x3FD2] =	sst s25  }
0xa6: {  	s5 =	sshll.u32 s26, $0x1;
	_ =	strace $0x80000049;
	[dreg:$0x1] =	wrdreg $0xFFFFFFFF  }
0xa7: {  	s28 =	simm.s32 $_size_execute0_lowered;
	s3 =	sadd.s32 s3, s5;
	[dreg:$0x0] =	wrdreg $0x0  }
0xa8: {  	s5 =	sshll.u32 s28, $0x1;
	[dreg:$0x2] =	wrdreg s3  }
0xa9: {  	[dreg:$0x3] =	wrdreg s5  }
0xaa: {  	[dreg:$0x4] =	wrdreg $0xC0  }
0xab: {  	_ =	task [dreg:s7], $0x5FFFF  }
0xac: {  	[dreg:$0x1] =	wrdreg $0xFFFFFFFF  }
0xad: {  	[dreg:$0x0] =	wrdreg $0x60  }
0xae: {  	[dreg:$0x2] =	wrdreg s24  }
0xaf: {  	[dreg:$0x3] =	wrdreg s2  }
0xb0: {  	[dreg:$0x4] =	wrdreg $0x9  }
0xb1: {  	_ =	task.clear_ibuf [dreg:s7], $0x5FFFF;
	_ =	strace $0x90000049  }
0xb2: {  	s29 =	simm.s32 $0x9;
	_ =	strace $0x8000004B  }
0xb3: {  	_ =	swait.ge [sflag:s29], $0x1  }
0xb4: {  	[sflag:s29] =	ssyncadd.s32 $0xFFFFFFFF  }
0xb5: {  	_ =	strace $0x9000004B  }
0xb6: {  	_ =	sfence  }
0xb7: {  	s30 =	sld [smem:$0x0];
	_ =	sdelay $0x2  }
0xb8: {  	s31 =	sshll.u32 s1, $0xD;
	s1 =	sshrl.u32 s1, $0x2  }
0xb9: {  	s3 =	sand.u32 $0x4000, s31;
	s1 =	sadd.s32 s1, s30  }
0xba: {  	s0 =	sor.u32 s3, s0;
	s1 =	sshll.u32 s1, $0x11  }
0xbb: {  	s0 =	sor.u32 s1, s0  }
0xbc: {  	s0 =	sadd.s32 $0x8F2B, s0  }
0xbd: {  	[sflag:s0] =	ssyncadd.remote.s32 $0x1  }
0xbe: {  	_ =	sfence.sel $0xFFFF  }
0xbf: {  	[dreg:$0x0] =	wrdreg $0xFFFFFFFF;
	(pc) =	sbr.abs _section_cstart, $3  }
0xc0: {  	[dreg:$0x1] =	wrdreg $0xFFFFFFFF  }
0xc1: {  	_ =	task.clear_ibuf [dreg:s7], $0x2FFFF;
	_ =	strace $0x9FFFFFFF  }
0xc2: {  	(tm) =	ssettm $0x7FFFFFFF  }
0xc3: {  	_ =	shalt  }
tec
execute0_lowered:
.L_overlay_start_1:
0x0: {  	(tag) =	ssettag $0x1  }
0x1: {  	s4 =	rddreg [dreg:$0x0]  }
0x2: {  	s6 =	rddreg [dreg:$0x1]  }
0x3: {  	s0 =	rddreg [dreg:$0x2]  }
0x4: {  	s3 =	srdreg.scid;
	s1 =	stileid.u32;
	s2 =	simm.s32 $0x0  }
0x5: {  	s10 =	simm.s32 $0x1080;
	s11 =	simm.s32 $0x1880;
	s12 =	simm.s32 $0x0  }
0x6: {  	s3 =	sand.u32 $0x1, s3;
	s5 =	sshll.u32 s1, $0x1;
	[smem:$0x7FF] =	sst s2  }
0x7: {  	v0 =	vlaneseq.u32;
	s5 =	sor.u32 s3, s5;
	_ =	strace $0x8000004A;
	s8 =	ssub.s32 $0x2, s3  }
0x8: {  	v0 =	vmul.u32 $0x5, v0;
	s3 =	sadd.s32 $0x2E00, s4;
	s7 =	sshll.u32 s5, $0x8;
	s9 =	smul.u32 $0x500, s5  }
0x9: {  	s31 =	sshrl.u32 s8, $0x1;
	s7 =	sadd.s32 s7, s4;
	s4 =	sadd.s32 $0x3000, s4  }
0xa: {  	vm0 =	vmmov $0x1;
	vm1 =	vcmask $0x308;
	v1 =	vadd.s32 $0x1, v0;
	s8 =	ssub.s32 s8, s31;
	s5 =	sadd.s32 $0xE00, s7;
	s6 =	sadd.s32 s6, s9  }
0xb: {  	v2 =	vadd.s32 $0x2, v0;
	v3 =	vadd.s32 $0x3, v0;
	v4 =	vadd.s32 $0x4, v0;
	s7 =	smax.u32 s8, $0x1;
	s8 =	simm.s32 $0x1;
	s9 =	simm.s32 $0x1000  }
.LBB2_1:
0xc: {  	[tilespmem:s2], [sflag:$0x1] =	stream.linear.gather [hbm4b:s3+s2], $0x1000, $0x38;
	[tilespmem:$0x4080] =	vst v63  }
0xd: {  	_ =	swait.ge [sflag:s8], $0x1000  }
0xe: {  	[sflag:s8] =	ssyncset.done $0x0  }
0xf: {  	[sflag:s8] =	ssyncadd.s32 $0xFFFFF000  }
0x10: {  	[tilespmem:s9], [sflag:$0x1] =	stream.linear.gather [hbm4b:s4+s2], $0x80, $0x38;
	[tilespmem:$0x4080] =	vst v63  }
0x11: {  	_ =	swait.ge [sflag:s8], $0x80  }
0x12: {  	[sflag:s8] =	ssyncset.done $0x0  }
0x13: {  	[sflag:s8] =	ssyncadd.s32 $0xFFFFFF80  }
0x14: {  	[tilespmem:s10], [sflag:$0x1] =	stream.linear.gather [hbm4b:s5+s2], $0x800, $0x38;
	[tilespmem:$0x4080] =	vst v63  }
0x15: {  	_ =	swait.ge [sflag:s8], $0x800  }
0x16: {  	[sflag:s8] =	ssyncset.done $0x0  }
0x17: {  	[sflag:s8] =	ssyncadd.s32 $0xFFFFF800  }
0x18: {  	v5 =	vld [tilespmem:$0x0];
	_ =	sdelay $0x1  }
0x19: {  	v6 =	vld [tilespmem:$0x80];
	_ =	sdelay $0x1  }
0x1a: {  	v7 =	vld [tilespmem:$0x100]  }
0x1b: {  	v5 =	vadd.f32 $0.0e+00, v5  }
0x1c: {  	v8 =	vld [tilespmem:$0x180]  }
0x1d: {  	v5 =	vadd.f32 v6, v5  }
0x1e: {  	v6 =	vld [tilespmem:$0x200]  }
0x1f: {  	v5 =	vadd.f32 v7, v5  }
0x20: {  	v7 =	vld [tilespmem:$0x280]  }
0x21: {  	v5 =	vadd.f32 v8, v5  }
0x22: {  	v8 =	vld [tilespmem:$0x300]  }
0x23: {  	v5 =	vadd.f32 v6, v5  }
0x24: {  	v6 =	vld [tilespmem:$0x380]  }
0x25: {  	v5 =	vadd.f32 v7, v5  }
0x26: {  	v7 =	vld [tilespmem:$0x400]  }
0x27: {  	v5 =	vadd.f32 v8, v5  }
0x28: {  	v8 =	vld [tilespmem:$0x480]  }
0x29: {  	v5 =	vadd.f32 v6, v5  }
0x2a: {  	v6 =	vld [tilespmem:$0x500]  }
0x2b: {  	v5 =	vadd.f32 v7, v5  }
0x2c: {  	v7 =	vld [tilespmem:$0x580]  }
0x2d: {  	v5 =	vadd.f32 v8, v5  }
0x2e: {  	v8 =	vld [tilespmem:$0x600]  }
0x2f: {  	v5 =	vadd.f32 v6, v5  }
0x30: {  	v6 =	vld [tilespmem:$0x680]  }
0x31: {  	v5 =	vadd.f32 v7, v5  }
0x32: {  	v7 =	vld [tilespmem:$0x700]  }
0x33: {  	v5 =	vadd.f32 v8, v5  }
0x34: {  	v8 =	vld [tilespmem:$0x780]  }
0x35: {  	v5 =	vadd.f32 v6, v5  }
0x36: {  	v6 =	vld [tilespmem:$0x800]  }
0x37: {  	v5 =	vadd.f32 v7, v5  }
0x38: {  	v7 =	vld [tilespmem:$0x880]  }
0x39: {  	v5 =	vadd.f32 v8, v5  }
0x3a: {  	v8 =	vld [tilespmem:$0x900]  }
0x3b: {  	v5 =	vadd.f32 v6, v5  }
0x3c: {  	v6 =	vld [tilespmem:$0x980]  }
0x3d: {  	v5 =	vadd.f32 v7, v5  }
0x3e: {  	v7 =	vld [tilespmem:$0xA00]  }
0x3f: {  	v5 =	vadd.f32 v8, v5  }
0x40: {  	v8 =	vld [tilespmem:$0xA80]  }
0x41: {  	v5 =	vadd.f32 v6, v5  }
0x42: {  	v6 =	vld [tilespmem:$0xB00]  }
0x43: {  	v5 =	vadd.f32 v7, v5  }
0x44: {  	v7 =	vld [tilespmem:$0xB80]  }
0x45: {  	v5 =	vadd.f32 v8, v5  }
0x46: {  	v8 =	vld [tilespmem:$0xC00]  }
0x47: {  	v5 =	vadd.f32 v6, v5  }
0x48: {  	v6 =	vld [tilespmem:$0xC80]  }
0x49: {  	v5 =	vadd.f32 v7, v5  }
0x4a: {  	v7 =	vld [tilespmem:$0xD00]  }
0x4b: {  	v5 =	vadd.f32 v8, v5  }
0x4c: {  	v8 =	vld [tilespmem:$0xD80]  }
0x4d: {  	v5 =	vadd.f32 v6, v5  }
0x4e: {  	v6 =	vld [tilespmem:$0xE00]  }
0x4f: {  	v5 =	vadd.f32 v7, v5  }
0x50: {  	v7 =	vld [tilespmem:$0xE80]  }
0x51: {  	v5 =	vadd.f32 v8, v5  }
0x52: {  	v8 =	vld [tilespmem:$0xF00]  }
0x53: {  	v5 =	vadd.f32 v6, v5  }
0x54: {  	v6 =	vld [tilespmem:$0xF80]  }
0x55: {  	v5 =	vadd.f32 v7, v5;
	_ =	sdelay $0x1  }
0x56: {  	v5 =	vadd.f32 v8, v5;
	_ =	sdelay $0x1  }
0x57: {  	v5 =	vadd.f32 v6, v5;
	_ =	sdelay $0x1  }
0x58: {  	v6 =	vnsel vm0, $0x0, v5  }
0x59: {  	v5 =	vsel vm1, $0x0, v5;
	(xrf2) =	vadd.scan.msk.f32 $0xffff, v6  }
0x5a: {  	(xrf2) =	vadd.scan.msk.f32 $0xffff, v5;
	_ =	sdelay $0x8  }
0x5b: {  	v5, _, _ =	vpop (xrf2)  }
0x5c: {  	(v2sf) =	vpush v5, $0xF;
	v5, _, _ =	vpop (xrf2)  }
0x5d: {  	(v2sf) =	vpush v5, $0xF;
	_ =	sdelay $0xd  }
0x5e: {  	s13 =	spop (v2sf)  }
0x5f: {  	s14 =	smul.f32 $1.525878910e-05, s13;
	s28 =	spop (v2sf)  }
0x60: {  	s13 =	smul.f32 $1.525878910e-05, s28  }
0x61: {  	s15 =	smul.f32 s14, s14;
	_ =	sdelay $0x1  }
0x62: {  	s13 =	ssub.f32 s13, s15;
	_ =	sdelay $0x1  }
0x63: {  	s13 =	sadd.f32 $9.999999740e-06, s13;
	_ =	sdelay $0x1  }
0x64: {  	v5 =	vmov s13  }
0x65: {  	v6 =	vshra.s32 v5, $0x1;
	v5 =	vmul.f32 $5.000000000e-01, v5  }
0x66: {  	v6 =	vsub.s32 $0x5F3759DF, v6  }
0x67: {  	v7 =	vmul.f32 v6, v5;
	_ =	sdelay $0x1  }
0x68: {  	v7 =	vmul.f32 v6, v7;
	_ =	sdelay $0x1  }
0x69: {  	v7 =	vsub.f32 $1.500000000e+00, v7  }
0x6a: {  	v8 =	vld [tilespmem:$0x1000]  }
0x6b: {  	v6 =	vmul.f32 v6, v7;
	_ =	sdelay $0x1  }
0x6c: {  	v7 =	vmul.f32 v6, v5;
	_ =	sdelay $0x1  }
0x6d: {  	v9 =	vnsel vm0, $0x0, v8;
	v7 =	vmul.f32 v7, v6  }
0x6e: {  	(xrf2) =	vadd.scan.msk.f32 $0xffff, v9  }
0x6f: {  	v7 =	vsub.f32 $1.500000000e+00, v7;
	_ =	sdelay $0x1  }
0x70: {  	v6 =	vmul.f32 v7, v6  }
0x71: {  	v7 =	vsel vm1, $0x0, v8  }
0x72: {  	(xrf2) =	vadd.scan.msk.f32 $0xffff, v7;
	v5 =	vmul.f32 v6, v5;
	_ =	sdelay $0x1  }
0x73: {  	v5 =	vmul.f32 v5, v6;
	_ =	sdelay $0x1  }
0x74: {  	v5 =	vsub.f32 $1.500000000e+00, v5  }
0x75: {  	v7, _, _ =	vpop (xrf2)  }
0x76: {  	v5 =	vmul.f32 v5, v6;
	v6 =	vbroadcast v7, $0xF  }
0x77: {  	s13 =	simm.s32 $0x10A0;
	v7 =	vmov s2  }
0x78: {  	v8 =	vld [tilespmem:s13+$0xFFFFFFE0];
	v7 =	vmul.u32 $0x5, v7  }
0x79: {  	v5 =	vmul.f32 v5, v6  }
0x7a: {  	v7 =	vbroadcast v7, $0x0;
	v6, _, _ =	vpop (xrf2)  }
0x7b: {  	v9 =	vmul.f32 s14, v5;
	v6 =	vbroadcast v6, $0xF  }
0x7c: {  	v10 =	vadd.s32 v0, v7  }
0x7d: {  	v8 =	vmul.f32 v8, v5;
	v6 =	vsub.f32 v6, v9;
	v9 =	vadd.s32 v1, v7  }
0x7e: {  	v11 =	vadd.s32 v2, v7  }
0x7f: {  	v12 =	vadd.s32 v3, v7;
	v8 =	vadd.f32 v8, v6  }
0x80: {  	v7 =	vadd.s32 v4, v7  }
0x81: {  	[tilespmem:v10+s11+$0x0] =	vst.idx.msk $0xffff, v8  }
0x82: {  	[tilespmem:v9+s11+$0x0] =	vst.idx.msk $0xffff, v8  }
0x83: {  	[tilespmem:v11+s11+$0x0] =	vst.idx.msk $0xffff, v8  }
0x84: {  	s29 =	simm.s32 $0x10;
	[tilespmem:v12+s11+$0x0] =	vst.idx.msk $0xffff, v8  }
0x85: {  	[tilespmem:v7+s11+$0x0] =	vst.idx.msk $0xffff, v8;
	v7 =	vmov s29  }
0x86: {  	v8 =	vld [tilespmem:s13+$0xFFFFFFF0];
	v7 =	vmul.u32 $0x5, v7;
	_ =	sdelay $0x1  }
0x87: {  	v7 =	vbroadcast v7, $0x0;
	_ =	sdelay $0x1  }
0x88: {  	v9 =	vadd.s32 v0, v7  }
0x89: {  	v10 =	vadd.s32 v1, v7;
	v8 =	vmul.f32 v8, v5  }
0x8a: {  	v11 =	vadd.s32 v2, v7  }
0x8b: {  	v61 =	vadd.s32 v3, v7;
	v8 =	vadd.f32 v8, v6  }
0x8c: {  	v7 =	vadd.s32 v4, v7  }
0x8d: {  	[tilespmem:v9+s11+$0x0] =	vst.idx.msk $0xffff, v8  }
0x8e: {  	[tilespmem:v10+s11+$0x0] =	vst.idx.msk $0xffff, v8  }
0x8f: {  	[tilespmem:v11+s11+$0x0] =	vst.idx.msk $0xffff, v8  }
0x90: {  	s30 =	simm.s32 $0x20;
	[tilespmem:v61+s11+$0x0] =	vst.idx.msk $0xffff, v8  }
0x91: {  	[tilespmem:v7+s11+$0x0] =	vst.idx.msk $0xffff, v8;
	v7 =	vmov s30  }
0x92: {  	v8 =	vld [tilespmem:s13+$0x0];
	v7 =	vmul.u32 $0x5, v7;
	_ =	sdelay $0x1  }
0x93: {  	v7 =	vbroadcast v7, $0x0;
	_ =	sdelay $0x1  }
0x94: {  	v9 =	vadd.s32 v0, v7  }
0x95: {  	v10 =	vadd.s32 v1, v7;
	v8 =	vmul.f32 v8, v5  }
0x96: {  	v11 =	vadd.s32 v2, v7  }
0x97: {  	v62 =	vadd.s32 v3, v7;
	v8 =	vadd.f32 v8, v6  }
0x98: {  	v7 =	vadd.s32 v4, v7  }
0x99: {  	[tilespmem:v9+s11+$0x0] =	vst.idx.msk $0xffff, v8  }
0x9a: {  	[tilespmem:v10+s11+$0x0] =	vst.idx.msk $0xffff, v8  }
0x9b: {  	[tilespmem:v11+s11+$0x0] =	vst.idx.msk $0xffff, v8  }
0x9c: {  	s31 =	simm.s32 $0x30;
	[tilespmem:v62+s11+$0x0] =	vst.idx.msk $0xffff, v8  }
0x9d: {  	[tilespmem:v7+s11+$0x0] =	vst.idx.msk $0xffff, v8;
	v7 =	vmov s31  }
0x9e: {  	v8 =	vld [tilespmem:s13+$0x10];
	v7 =	vmul.u32 $0x5, v7;
	_ =	sdelay $0x1  }
0x9f: {  	v9 =	vbroadcast v7, $0x0;
	_ =	sdelay $0x1  }
0xa0: {  	v10 =	vadd.s32 v0, v9  }
0xa1: {  	v7 =	vmul.f32 v8, v5;
	v8 =	vadd.s32 v1, v9;
	_ =	sdelay $0x1  }
0xa2: {  	v7 =	vadd.f32 v7, v6  }
0xa3: {  	v11 =	vadd.s32 v2, v9  }
0xa4: {  	v63 =	vadd.s32 v3, v9;
	[tilespmem:v10+s11+$0x0] =	vst.idx.msk $0xffff, v7  }
0xa5: {  	[tilespmem:v8+s11+$0x0] =	vst.idx.msk $0xffff, v7;
	v8 =	vadd.s32 v4, v9;
	_ =	sdelay $0x2  }
0xa6: {  	[tilespmem:v11+s11+$0x0] =	vst.idx.msk $0xffff, v7  }
0xa7: {  	s15 =	simm.s32 $0x4;
	s14 =	simm.s32 $0x40;
	[tilespmem:v63+s11+$0x0] =	vst.idx.msk $0xffff, v7  }
.LBB2_2:
0xa8: {  	s15 =	sadd.s32 $0x4, s15;
	v9 =	vmov s14;
	[tilespmem:v8+s11+$0x0] =	vst.idx.msk $0xffff, v7;
	s13 =	sadd.s32 $0x40, s13  }
0xa9: {  	p0 =	slt.u32 s15, $0x7C;
	v7 =	vld [tilespmem:s13+$0xFFFFFFE0];
	v8 =	vmul.u32 $0x5, v9;
	_ =	sdelay $0x1  }
0xaa: {  	v8 =	vbroadcast v8, $0x0;
	_ =	sdelay $0x1  }
0xab: {  	v9 =	vadd.s32 v0, v8  }
0xac: {  	v10 =	vadd.s32 v1, v8;
	v7 =	vmul.f32 v7, v5  }
0xad: {  	v11 =	vadd.s32 v2, v8  }
0xae: {  	v12 =	vadd.s32 v3, v8;
	v7 =	vadd.f32 v7, v6  }
0xaf: {  	v8 =	vadd.s32 v4, v8  }
0xb0: {  	[tilespmem:v9+s11+$0x0] =	vst.idx.msk $0xffff, v7  }
0xb1: {  	[tilespmem:v10+s11+$0x0] =	vst.idx.msk $0xffff, v7  }
0xb2: {  	[tilespmem:v11+s11+$0x0] =	vst.idx.msk $0xffff, v7  }
0xb3: {  	s16 =	sadd.s32 $0x10, s14;
	[tilespmem:v12+s11+$0x0] =	vst.idx.msk $0xffff, v7  }
0xb4: {  	[tilespmem:v8+s11+$0x0] =	vst.idx.msk $0xffff, v7;
	v7 =	vmov s16  }
0xb5: {  	v8 =	vld [tilespmem:s13+$0xFFFFFFF0];
	v7 =	vmul.u32 $0x5, v7;
	_ =	sdelay $0x1  }
0xb6: {  	v7 =	vbroadcast v7, $0x0;
	_ =	sdelay $0x1  }
0xb7: {  	v9 =	vadd.s32 v0, v7  }
0xb8: {  	v10 =	vadd.s32 v1, v7;
	v8 =	vmul.f32 v8, v5  }
0xb9: {  	v11 =	vadd.s32 v2, v7  }
0xba: {  	v12 =	vadd.s32 v3, v7;
	v8 =	vadd.f32 v8, v6  }
0xbb: {  	v7 =	vadd.s32 v4, v7  }
0xbc: {  	[tilespmem:v9+s11+$0x0] =	vst.idx.msk $0xffff, v8  }
0xbd: {  	[tilespmem:v10+s11+$0x0] =	vst.idx.msk $0xffff, v8  }
0xbe: {  	[tilespmem:v11+s11+$0x0] =	vst.idx.msk $0xffff, v8  }
0xbf: {  	s16 =	sadd.s32 $0x20, s14;
	[tilespmem:v12+s11+$0x0] =	vst.idx.msk $0xffff, v8  }
0xc0: {  	[tilespmem:v7+s11+$0x0] =	vst.idx.msk $0xffff, v8;
	v7 =	vmov s16  }
0xc1: {  	v8 =	vld [tilespmem:s13+$0x0];
	v7 =	vmul.u32 $0x5, v7;
	_ =	sdelay $0x1  }
0xc2: {  	v7 =	vbroadcast v7, $0x0;
	_ =	sdelay $0x1  }
0xc3: {  	v9 =	vadd.s32 v0, v7  }
0xc4: {  	v10 =	vadd.s32 v1, v7;
	v8 =	vmul.f32 v8, v5  }
0xc5: {  	v11 =	vadd.s32 v2, v7  }
0xc6: {  	v12 =	vadd.s32 v3, v7;
	v8 =	vadd.f32 v8, v6  }
0xc7: {  	v7 =	vadd.s32 v4, v7  }
0xc8: {  	[tilespmem:v9+s11+$0x0] =	vst.idx.msk $0xffff, v8  }
0xc9: {  	[tilespmem:v10+s11+$0x0] =	vst.idx.msk $0xffff, v8  }
0xca: {  	[tilespmem:v11+s11+$0x0] =	vst.idx.msk $0xffff, v8  }
0xcb: {  	s16 =	sadd.s32 $0x30, s14;
	[tilespmem:v12+s11+$0x0] =	vst.idx.msk $0xffff, v8  }
0xcc: {  	[tilespmem:v7+s11+$0x0] =	vst.idx.msk $0xffff, v8;
	v7 =	vmov s16  }
0xcd: {  	v8 =	vld [tilespmem:s13+$0x10];
	v7 =	vmul.u32 $0x5, v7;
	_ =	sdelay $0x1  }
0xce: {  	v9 =	vbroadcast v7, $0x0;
	_ =	sdelay $0x1  }
0xcf: {  	v10 =	vadd.s32 v0, v9  }
0xd0: {  	v11 =	vadd.s32 v1, v9;
	v7 =	vmul.f32 v8, v5  }
0xd1: {  	v12 =	vadd.s32 v2, v9  }
0xd2: {  	v13 =	vadd.s32 v3, v9;
	v7 =	vadd.f32 v7, v6  }
.Ltmp0:
0xd3: {  	v8 =	vadd.s32 v4, v9;
	(pc) =	sbr.rel @p0 .LBB2_2-.Ltmp0, $4  }
0xd4: {  	[tilespmem:v10+s11+$0x0] =	vst.idx.msk $0xffff, v7  }
0xd5: {  	[tilespmem:v11+s11+$0x0] =	vst.idx.msk $0xffff, v7  }
0xd6: {  	[tilespmem:v12+s11+$0x0] =	vst.idx.msk $0xffff, v7  }
0xd7: {  	s14 =	sadd.s32 $0x40, s14;
	[tilespmem:v13+s11+$0x0] =	vst.idx.msk $0xffff, v7  }
0xd8: {  	_ =	sdelay $0x3  }
0xd9: {  	v9 =	vmov s14;
	[tilespmem:v8+s11+$0x0] =	vst.idx.msk $0xffff, v7;
	s13 =	sadd.s32 $0x40, s13  }
0xda: {  	v7 =	vld [tilespmem:s13+$0xFFFFFFE0];
	v51 =	vmul.u32 $0x5, v9;
	_ =	sdelay $0x1  }
0xdb: {  	v8 =	vbroadcast v51, $0x0;
	_ =	sdelay $0x1  }
0xdc: {  	v52 =	vadd.s32 v0, v8  }
0xdd: {  	v10 =	vadd.s32 v1, v8;
	v7 =	vmul.f32 v7, v5  }
0xde: {  	v11 =	vadd.s32 v2, v8  }
0xdf: {  	v12 =	vadd.s32 v3, v8;
	v7 =	vadd.f32 v7, v6  }
0xe0: {  	v8 =	vadd.s32 v4, v8  }
0xe1: {  	[tilespmem:v52+s11+$0x0] =	vst.idx.msk $0xffff, v7  }
0xe2: {  	[tilespmem:v10+s11+$0x0] =	vst.idx.msk $0xffff, v7  }
0xe3: {  	[tilespmem:v11+s11+$0x0] =	vst.idx.msk $0xffff, v7  }
0xe4: {  	s15 =	sadd.s32 $0x10, s14;
	[tilespmem:v12+s11+$0x0] =	vst.idx.msk $0xffff, v7  }
0xe5: {  	[tilespmem:v8+s11+$0x0] =	vst.idx.msk $0xffff, v7;
	v7 =	vmov s15  }
0xe6: {  	v8 =	vld [tilespmem:s13+$0xFFFFFFF0];
	v7 =	vmul.u32 $0x5, v7;
	_ =	sdelay $0x1  }
0xe7: {  	v7 =	vbroadcast v7, $0x0;
	_ =	sdelay $0x1  }
0xe8: {  	v53 =	vadd.s32 v0, v7  }
0xe9: {  	v54 =	vadd.s32 v1, v7;
	v8 =	vmul.f32 v8, v5  }
0xea: {  	v55 =	vadd.s32 v2, v7  }
0xeb: {  	v56 =	vadd.s32 v3, v7;
	v8 =	vadd.f32 v8, v6  }
0xec: {  	v7 =	vadd.s32 v4, v7  }
0xed: {  	[tilespmem:v53+s11+$0x0] =	vst.idx.msk $0xffff, v8  }
0xee: {  	[tilespmem:v54+s11+$0x0] =	vst.idx.msk $0xffff, v8  }
0xef: {  	[tilespmem:v55+s11+$0x0] =	vst.idx.msk $0xffff, v8  }
0xf0: {  	s30 =	sadd.s32 $0x20, s14;
	[tilespmem:v56+s11+$0x0] =	vst.idx.msk $0xffff, v8  }
0xf1: {  	[tilespmem:v7+s11+$0x0] =	vst.idx.msk $0xffff, v8;
	v7 =	vmov s30  }
0xf2: {  	v8 =	vld [tilespmem:s13+$0x0];
	v7 =	vmul.u32 $0x5, v7;
	_ =	sdelay $0x1  }
0xf3: {  	v7 =	vbroadcast v7, $0x0;
	_ =	sdelay $0x1  }
0xf4: {  	v57 =	vadd.s32 v0, v7  }
0xf5: {  	v58 =	vadd.s32 v1, v7;
	v8 =	vmul.f32 v8, v5  }
0xf6: {  	v59 =	vadd.s32 v2, v7  }
0xf7: {  	v60 =	vadd.s32 v3, v7;
	v8 =	vadd.f32 v8, v6  }
0xf8: {  	v7 =	vadd.s32 v4, v7  }
0xf9: {  	[tilespmem:v57+s11+$0x0] =	vst.idx.msk $0xffff, v8  }
0xfa: {  	[tilespmem:v58+s11+$0x0] =	vst.idx.msk $0xffff, v8  }
0xfb: {  	[tilespmem:v59+s11+$0x0] =	vst.idx.msk $0xffff, v8  }
0xfc: {  	s31 =	sadd.s32 $0x30, s14;
	[tilespmem:v60+s11+$0x0] =	vst.idx.msk $0xffff, v8  }
0xfd: {  	[tilespmem:v7+s11+$0x0] =	vst.idx.msk $0xffff, v8;
	v7 =	vmov s31  }
0xfe: {  	v8 =	vld [tilespmem:s13+$0x10];
	v7 =	vmul.u32 $0x5, v7;
	_ =	sdelay $0x1  }
0xff: {  	v7 =	vbroadcast v7, $0x0;
	_ =	sdelay $0x1  }
0x100: {  	v61 =	vadd.s32 v0, v7  }
0x101: {  	v62 =	vadd.s32 v1, v7;
	v5 =	vmul.f32 v8, v5  }
0x102: {  	v63 =	vadd.s32 v2, v7  }
0x103: {  	v5 =	vadd.f32 v5, v6;
	v6 =	vadd.s32 v3, v7  }
0x104: {  	v7 =	vadd.s32 v4, v7  }
0x105: {  	[tilespmem:v61+s11+$0x0] =	vst.idx.msk $0xffff, v5  }
0x106: {  	[tilespmem:v62+s11+$0x0] =	vst.idx.msk $0xffff, v5  }
0x107: {  	s12 =	sadd.s32 $0x1, s12;
	[tilespmem:v63+s11+$0x0] =	vst.idx.msk $0xffff, v5  }
0x108: {  	p0 =	sne.s32 s12, s7;
	[tilespmem:v6+s11+$0x0] =	vst.idx.msk $0xffff, v5  }
.Ltmp1:
0x109: {  	[tilespmem:v7+s11+$0x0] =	vst.idx.msk $0xffff, v5;
	(pc) =	sbr.rel @p0 .LBB2_1-.Ltmp1, $4  }
0x10a: {  	[hbm4b:s6+s2] =	stream.linear.scatter [tilespmem:s11], [sflag:$0x1], $0x2800, $0x38;
	[tilespmem:$0x4080] =	vst v63  }
0x10b: {  	_ =	swait.ge [sflag:s8], $0x2800  }
0x10c: {  	[sflag:s8] =	ssyncset.done $0x0  }
0x10d: {  	[sflag:s8] =	ssyncadd.s32 $0xFFFFD800  }
0x10e: {  	_ =	sfence.sel $0x180000  }
0x10f: {  	[bflag:$0x0] =	sbarrier.arrive $0xFFFF  }
0x110: {  	p0 =	sne.s32 s1, $0x0;
	_ =	strace $0x9000004A  }
0x111: {  	s0 =	sadd.s32 @!p0 $0x100000, s0;
	[bflag:$0x2] =	sbarrier.arrive $0xFFFF  }
0x112: {  	[sflag:s0] =	ssyncadd.tile.s32 @!p0 $0x1;
	_ =	shalt  }
.Lfunc_end2:
_tile_overlayer_lowered:
.L_overlay_start_2:
0x113: {  	(tag) =	ssettag $0x2  }
0x114: {  	s0 =	rddreg [dreg:$0x0];
	s2 =	stileid.u32  }
0x115: {  	s1 =	rddreg [dreg:$0x1];
	p0 =	sne.s32 s2, $0x0  }
0x116: {  	s3 =	rddreg [dreg:$0x2];
	[bflag:$0x3] =	sbarrier.arrive $0xFFFF;
	s2 =	simm.s32 @!p0 $0x1C01  }
0x117: {  	[timem:s3], [sflag:s2] =	dma.local @!p0 [hbm:s0], s1  }
0x118: {  	s0 =	simm.s32 @!p0 $0x1  }
0x119: {  	_ =	swait.ge @!p0 [sflag:s0], s1  }
0x11a: {  	s1 =	ssub.s32 @!p0 $0x0, s1;
	[sflag:s0] =	ssyncset.done @!p0 $0x0  }
0x11b: {  	[sflag:s0] =	ssyncadd.s32 @!p0 s1  }
0x11c: {  	[bflag:$0x3] =	sbarrier.arrive $0xFFFF  }
0x11d: {  	_ =	shalt  }

</sc_bundles>
